<compile_context>
chip_gen: v7x
topology: tpu7x:2x2x1
jax: 0.10.2.dev20260603
libtpu: 0.0.44.dev20260713+nightly
codegen_flags: <defaults>
</compile_context>

<pallas_src>
import functools

import jax
import jax.numpy as jnp
from jax import lax
from jax.experimental import pallas as pl
from jax.experimental.pallas import tpu as pltpu
from jax.experimental.pallas import tpu_sc as plsc


_CB = 8192


def _pack_tail(V, CB):
    return V - (V // CB) * CB


@functools.cache
def _make_pack_table(V, D):
    CB = _CB
    half = CB // 2
    grid = (V + CB - 1) // CB
    tail = _pack_tail(V, CB)

    def body(x_ref, y_ref):
        i = pl.program_id(0)
        x = x_ref[...]
        e = (
            lax.broadcasted_iota(jnp.int32, (D, D), 0)
            == lax.broadcasted_iota(jnp.int32, (D, D), 1)
        ).astype(jnp.float32)
        z = lax.dot_general(
            x, e, (((0,), (0,)), ((), ())), precision=lax.Precision.DEFAULT
        )
        y_ref[:, 0:D] = z[0:half]
        y_ref[:, D : 2 * D] = z[half:CB]

        @pl.when(i == grid - 1)
        def _():
            y_ref[:, D : 2 * D] = z[tail // 2 : tail // 2 + half]

    return pl.pallas_call(
        body,
        grid=(grid,),
        in_specs=[pl.BlockSpec((D, CB), lambda i: (0, i))],
        out_specs=pl.BlockSpec((half, 2 * D), lambda i: (i, 0)),
        out_shape=jax.ShapeDtypeStruct((V // 2, 2 * D), jnp.float32),
    )


@functools.cache
def _make_gather(Bt, H, B, V, D, NW, NC, C, NBUF):
    b_per_w = B // NW
    nchunk = b_per_w // C
    assert nchunk % NBUF == 0
    mesh = plsc.VectorSubcoreMesh(core_axis_name="c", subcore_axis_name="s")

    @functools.partial(
        pl.kernel,
        mesh=mesh,
        out_type=jax.ShapeDtypeStruct((Bt, H, D), jnp.float32),
        scratch_types=[
            pltpu.VMEM((nchunk, C), jnp.int32),
            [pltpu.VMEM((C, D), jnp.float32) for _ in range(NBUF)],
            [pltpu.SemaphoreType.DMA for _ in range(NBUF)],
        ],
        compiler_params=pltpu.CompilerParams(use_tc_tiling_on_sc=False),
    )
    def gather_kernel(idx_hbm, table_hbm, out_hbm, idx_v, bufs, sems):
        wid = lax.axis_index("s") * NC + lax.axis_index("c")
        base = wid * b_per_w
        pltpu.sync_copy(idx_hbm.at[wid], idx_v)

        def fire(g, b):
            pltpu.async_copy(table_hbm.at[idx_v.at[g]], bufs[b], sems[b])

        def drain(g, b):
            pltpu.make_async_copy(table_hbm.at[idx_v.at[g]], bufs[b], sems[b]).wait()

        fire(0, 0)
        KB = C // H

        def body(i, carry):
            for b in range(NBUF):
                g = i * NBUF + b
                nb = (b + 1) % NBUF

                @pl.when(g + 1 < nchunk)
                def _():
                    fire(g + 1, nb)

                drain(g, b)
                b0 = (base + g * C) // H
                for kb in range(KB):
                    pltpu.sync_copy(
                        bufs[b].at[pl.ds(kb * H, H)], out_hbm.at[b0 + kb]
                    )
            return carry

        lax.fori_loop(0, nchunk // NBUF, body, 0)

    return gather_kernel


def kernel(token_ids, embedding_table):
    Bt, H = token_ids.shape
    V, D = embedding_table.shape
    B = Bt * H
    NW, NC = 32, 2
    C, NBUF = 8 * H, 2
    packed = _make_pack_table(V, D)(embedding_table.T)
    table = packed.reshape(V, D)
    CB = _CB
    half = CB // 2
    tail = _pack_tail(V, CB)
    tail0 = (V // CB) * CB
    r = token_ids
    k, m = r // CB, r % CB
    general = jnp.where(
        m < half, 2 * (k * half + m), 2 * (k * half + m - half) + 1
    )
    mm = r - tail0
    special = jnp.where(
        mm < tail // 2,
        2 * (tail0 // 2 + mm),
        2 * (tail0 // 2 + mm - tail // 2) + 1,
    )
    remapped = jnp.where(r < tail0, general, special)
    idx = remapped.reshape(NW, (B // NW) // C, C).astype(jnp.int32)
    return _make_gather(Bt, H, B, V, D, NW, NC, C, NBUF)(idx, table)

# --- scband reference (transcript-rebuilt; emitter-appended) ---
"""Pipeline reference for scband-embedding-69741678952883 (READ-ONLY COPY).

The authoritative reference and input builder live on the scoring server;
editing this copy changes nothing except your own understanding.
"""

import jax, jax.numpy as jnp
import numpy as np

NUM_EMBEDDINGS = 1000000
EMBEDDING_DIMS = 64
BATCH = 16384
HIST_LEN = 50


def setup_inputs(seed: int = 0) -> dict:
    key = jax.random.key(seed)
    k_idx, k_tbl = jax.random.split(key)
    token_ids = jax.random.randint(k_idx, (BATCH, HIST_LEN), 0, NUM_EMBEDDINGS, dtype=jnp.int64 if jax.config.read('jax_enable_x64') else jnp.int32)
    # trunc_normal_(mean=0, std=1, a=-3, b=3)
    embedding_table = jax.random.truncated_normal(k_tbl, -3.0, 3.0, (NUM_EMBEDDINGS, EMBEDDING_DIMS), dtype=jnp.float32)
    return {"token_ids": token_ids, "embedding_table": embedding_table}


def reference(token_ids, embedding_table):
    # faithful to torch: self.embedding_table[token_ids]
    return jnp.take(embedding_table, token_ids, axis=0)

if __name__ == "__main__":
    import jax
    _d = setup_inputs()
    print(jax.jit(kernel)(*tuple(_d.values())))

</pallas_src>

<mosaic_0001>
#map = affine_map<(d0, d1) -> (0, 0, 0)>
#map1 = affine_map<(d0, d1) -> (0, 0)>
module attributes {stable_mosaic.version = 14 : i64} {
  func.func @gather_kernel(%arg0: i32, %arg1: i32, %arg2: memref<32x64x400xi32, #tpu.memory_space<hbm>>, %arg3: memref<1000000x64xf32, #tpu.memory_space<hbm>>, %arg4: memref<16384x50x64xf32, #tpu.memory_space<hbm>>, %arg5: memref<64x400xi32, #tpu.memory_space<vmem>>, %arg6: memref<400x64xf32, #tpu.memory_space<vmem>>, %arg7: memref<400x64xf32, #tpu.memory_space<vmem>>, %arg8: memref<!tpu.dma_semaphore, #tpu.memory_space<semaphore_mem>>, %arg9: memref<!tpu.dma_semaphore, #tpu.memory_space<semaphore_mem>>) attributes {dimension_semantics = [#tpu.dimension_semantics<core_parallel>, #tpu.dimension_semantics<subcore_parallel>], iteration_bounds = array<i64: 2, 16>, scalar_prefetch = 0 : i64, scratch_operands = 5 : i64, tpu.core_type = #tpu.core_type<sc_vector_subcore>, window_params = [{transform_indices = #map}, {transform_indices = #map1}, {transform_indices = #map}]} {
    %mul3A = arith.constant 2 : i32
    %mul3A_0 = arith.muli %arg1, %mul3A : i32
    %add3A = arith.addi %mul3A_0, %arg0 : i32
    %mul3A_1 = arith.constant 25600 : i32
    %mul3A_2 = arith.muli %add3A, %mul3A_1 : i32
    "tpu.region"() ({
      %run_scoped3A = tpu.sem_alloc : memref<!tpu.dma_semaphore, #tpu.memory_space<semaphore_mem>>
      %dma_start3A_14 = arith.constant 0 : i32
      %dma_start3A_15 = arith.constant 0 : i32
      %dma_start3A_16 = tpu.memref_slice %arg2[%add3A, %dma_start3A_14, %dma_start3A_15] : memref<32x64x400xi32, #tpu.memory_space<hbm>> -> memref<1x64x400xi32, #tpu.memory_space<hbm>>
      %dma_start3A_17 = tpu.memref_squeeze %dma_start3A_16 : memref<1x64x400xi32, #tpu.memory_space<hbm>> -> memref<64x400xi32, #tpu.memory_space<hbm>>
      %dma_start3A_18 = arith.constant 0 : i32
      %dma_start3A_19 = arith.constant 0 : i32
      %dma_start3A_20 = tpu.memref_slice %arg2[%add3A, %dma_start3A_18, %dma_start3A_19] : memref<32x64x400xi32, #tpu.memory_space<hbm>> -> memref<1x64x400xi32, #tpu.memory_space<hbm>>
      %dma_start3A_21 = tpu.memref_squeeze %dma_start3A_20 : memref<1x64x400xi32, #tpu.memory_space<hbm>> -> memref<64x400xi32, #tpu.memory_space<hbm>>
      tpu.enqueue_dma source(%dma_start3A_21 : memref<64x400xi32, #tpu.memory_space<hbm>>) target(%arg5 : memref<64x400xi32, #tpu.memory_space<vmem>>) target_semaphore(%run_scoped3A : memref<!tpu.dma_semaphore, #tpu.memory_space<semaphore_mem>>)
      %dma_wait3A = arith.constant 0 : i32
      %dma_wait3A_22 = arith.constant 0 : i32
      %dma_wait3A_23 = tpu.memref_slice %arg2[%add3A, %dma_wait3A, %dma_wait3A_22] : memref<32x64x400xi32, #tpu.memory_space<hbm>> -> memref<1x64x400xi32, #tpu.memory_space<hbm>>
      %dma_wait3A_24 = tpu.memref_squeeze %dma_wait3A_23 : memref<1x64x400xi32, #tpu.memory_space<hbm>> -> memref<64x400xi32, #tpu.memory_space<hbm>>
      %dma_wait3A_25 = arith.constant 0 : i32
      %dma_wait3A_26 = arith.constant 0 : i32
      %dma_wait3A_27 = tpu.memref_slice %arg2[%add3A, %dma_wait3A_25, %dma_wait3A_26] : memref<32x64x400xi32, #tpu.memory_space<hbm>> -> memref<1x64x400xi32, #tpu.memory_space<hbm>>
      %dma_wait3A_28 = tpu.memref_squeeze %dma_wait3A_27 : memref<1x64x400xi32, #tpu.memory_space<hbm>> -> memref<64x400xi32, #tpu.memory_space<hbm>>
      tpu.wait_dma2 semaphore(%run_scoped3A : memref<!tpu.dma_semaphore, #tpu.memory_space<semaphore_mem>>) src(%dma_wait3A_28 : memref<64x400xi32, #tpu.memory_space<hbm>>) dst(%arg5 : memref<64x400xi32, #tpu.memory_space<vmem>>)
      tpu.yield
    }) : () -> ()
    %dma_start3A = arith.constant 0 : i32
    %dma_start3A_3 = arith.constant 0 : i32
    %dma_start3A_4 = tpu.memref_slice %arg5[%dma_start3A, %dma_start3A_3] : memref<64x400xi32, #tpu.memory_space<vmem>> -> memref<1x400xi32, #tpu.memory_space<vmem>>
    %dma_start3A_5 = tpu.memref_squeeze %dma_start3A_4 : memref<1x400xi32, #tpu.memory_space<vmem>> -> memref<400xi32, #tpu.memory_space<vmem>>
    %dma_start3A_6 = arith.constant 0 : i32
    %dma_start3A_7 = arith.constant 0 : i32
    %dma_start3A_8 = tpu.memref_slice %arg3[%dma_start3A_6, %dma_start3A_7] : memref<1000000x64xf32, #tpu.memory_space<hbm>> -> memref<1000000x64xf32, #tpu.memory_space<hbm>>
    tpu.enqueue_indirect_dma source(%dma_start3A_8 : memref<1000000x64xf32, #tpu.memory_space<hbm>>) target(%arg6 : memref<400x64xf32, #tpu.memory_space<vmem>>) offsets(%dma_start3A_5 : memref<400xi32, #tpu.memory_space<vmem>>) semaphore(%arg8 : memref<!tpu.dma_semaphore, #tpu.memory_space<semaphore_mem>>)
    %scan3A = arith.constant 0 : i32
    %scan3A_9 = arith.constant 0 : i32
    %scan3A_10 = arith.constant 32 : i32
    %scan3A_11 = arith.addi %scan3A_9, %scan3A_10 : i32
    %scan3A_12 = arith.constant 1 : i32
    scf.for %scan3A_14 = %scan3A_9 to %scan3A_11 step %scan3A_12  : i32 {
      %mul3A_15 = arith.constant 2 : i32
      %mul3A_16 = arith.muli %scan3A_14, %mul3A_15 : i32
      %add3A_17 = arith.constant 0 : i32
      %add3A_18 = arith.addi %mul3A_16, %add3A_17 : i32
      %add3A_19 = arith.constant 1 : i32
      %add3A_20 = arith.addi %add3A_18, %add3A_19 : i32
      %lt3A = arith.constant 64 : i32
      %lt3A_21 = arith.cmpi slt, %add3A_20, %lt3A : i32
      %convert_element_type3A = arith.extui %lt3A_21 : i1 to i32
      %cond3A = arith.constant 0 : i32
      %cond3A_22 = arith.cmpi ne, %convert_element_type3A, %cond3A : i32
      scf.if %cond3A_22 {
        %add3A_123 = arith.constant 1 : i32
        %add3A_124 = arith.addi %add3A_18, %add3A_123 : i32
        %dma_start3A_125 = arith.constant 0 : i32
        %dma_start3A_126 = tpu.memref_slice %arg5[%add3A_124, %dma_start3A_125] : memref<64x400xi32, #tpu.memory_space<vmem>> -> memref<1x400xi32, #tpu.memory_space<vmem>>
        %dma_start3A_127 = tpu.memref_squeeze %dma_start3A_126 : memref<1x400xi32, #tpu.memory_space<vmem>> -> memref<400xi32, #tpu.memory_space<vmem>>
        %dma_start3A_128 = arith.constant 0 : i32
        %dma_start3A_129 = arith.constant 0 : i32
        %dma_start3A_130 = tpu.memref_slice %arg3[%dma_start3A_128, %dma_start3A_129] : memref<1000000x64xf32, #tpu.memory_space<hbm>> -> memref<1000000x64xf32, #tpu.memory_space<hbm>>
        tpu.enqueue_indirect_dma source(%dma_start3A_130 : memref<1000000x64xf32, #tpu.memory_space<hbm>>) target(%arg7 : memref<400x64xf32, #tpu.memory_space<vmem>>) offsets(%dma_start3A_127 : memref<400xi32, #tpu.memory_space<vmem>>) semaphore(%arg9 : memref<!tpu.dma_semaphore, #tpu.memory_space<semaphore_mem>>)
      } else {
      }
      %dma_wait3A = arith.constant 0 : i32
      %dma_wait3A_23 = tpu.memref_slice %arg5[%add3A_18, %dma_wait3A] : memref<64x400xi32, #tpu.memory_space<vmem>> -> memref<1x400xi32, #tpu.memory_space<vmem>>
      %dma_wait3A_24 = tpu.memref_squeeze %dma_wait3A_23 : memref<1x400xi32, #tpu.memory_space<vmem>> -> memref<400xi32, #tpu.memory_space<vmem>>
      %dma_wait3A_25 = arith.constant 0 : i32
      %dma_wait3A_26 = arith.constant 0 : i32
      %dma_wait3A_27 = tpu.memref_slice %arg3[%dma_wait3A_25, %dma_wait3A_26] : memref<1000000x64xf32, #tpu.memory_space<hbm>> -> memref<1000000x64xf32, #tpu.memory_space<hbm>>
      tpu.wait_indirect_dma semaphore(%arg8 : memref<!tpu.dma_semaphore, #tpu.memory_space<semaphore_mem>>) src(%dma_wait3A_27 : memref<1000000x64xf32, #tpu.memory_space<hbm>>) dst(%arg6 : memref<400x64xf32, #tpu.memory_space<vmem>>)
      %mul3A_28 = arith.constant 400 : i32
      %mul3A_29 = arith.muli %add3A_18, %mul3A_28 : i32
      %add3A_30 = arith.addi %mul3A_2, %mul3A_29 : i32
      %jit3A = arith.constant 50 : i32
      %div3A = arith.divsi %add3A_30, %jit3A : i32
      %sign3A = arith.constant 0 : i32
      %sign3A_31 = arith.cmpi sgt, %add3A_30, %sign3A : i32
      %sign3A_32 = arith.extui %sign3A_31 : i1 to i32
      %sign3A_33 = arith.constant 0 : i32
      %sign3A_34 = arith.cmpi slt, %add3A_30, %sign3A_33 : i32
      %sign3A_35 = arith.extui %sign3A_34 : i1 to i32
      %sign3A_36 = arith.subi %sign3A_32, %sign3A_35 : i32
      %sign3A_37 = arith.constant 0 : i32
      %sign3A_38 = arith.cmpi sgt, %jit3A, %sign3A_37 : i32
      %sign3A_39 = arith.extui %sign3A_38 : i1 to i32
      %sign3A_40 = arith.constant 0 : i32
      %sign3A_41 = arith.cmpi slt, %jit3A, %sign3A_40 : i32
      %sign3A_42 = arith.extui %sign3A_41 : i1 to i32
      %sign3A_43 = arith.subi %sign3A_39, %sign3A_42 : i32
      %ne3A = arith.cmpi ne, %sign3A_36, %sign3A_43 : i32
      %rem3A = arith.remsi %add3A_30, %jit3A : i32
      %ne3A_44 = arith.constant 0 : i32
      %ne3A_45 = arith.cmpi ne, %rem3A, %ne3A_44 : i32
      %and3A = arith.andi %ne3A, %ne3A_45 : i1
      %sub3A = arith.constant 1 : i32
      %sub3A_46 = arith.subi %div3A, %sub3A : i32
      %select_n3A = arith.select %and3A, %sub3A_46, %div3A : i32
      %add3A_47 = arith.constant 0 : i32
      %add3A_48 = arith.addi %select_n3A, %add3A_47 : i32
      "tpu.region"() ({
        %run_scoped3A = tpu.sem_alloc : memref<!tpu.dma_semaphore, #tpu.memory_space<semaphore_mem>>
        %dma_start3A_123 = arith.constant 0 : i32
        %dma_start3A_124 = arith.constant 0 : i32
        %dma_start3A_125 = tpu.memref_slice %arg6[%dma_start3A_123, %dma_start3A_124] : memref<400x64xf32, #tpu.memory_space<vmem>> -> memref<50x64xf32, #tpu.memory_space<vmem>>
        %dma_start3A_126 = arith.constant 0 : i32
        %dma_start3A_127 = arith.constant 0 : i32
        %dma_start3A_128 = tpu.memref_slice %arg4[%add3A_48, %dma_start3A_126, %dma_start3A_127] : memref<16384x50x64xf32, #tpu.memory_space<hbm>> -> memref<1x50x64xf32, #tpu.memory_space<hbm>>
        %dma_start3A_129 = tpu.memref_squeeze %dma_start3A_128 : memref<1x50x64xf32, #tpu.memory_space<hbm>> -> memref<50x64xf32, #tpu.memory_space<hbm>>
        %dma_start3A_130 = arith.constant 0 : i32
        %dma_start3A_131 = arith.constant 0 : i32
        %dma_start3A_132 = tpu.memref_slice %arg4[%add3A_48, %dma_start3A_130, %dma_start3A_131] : memref<16384x50x64xf32, #tpu.memory_space<hbm>> -> memref<1x50x64xf32, #tpu.memory_space<hbm>>
        %dma_start3A_133 = tpu.memref_squeeze %dma_start3A_132 : memref<1x50x64xf32, #tpu.memory_space<hbm>> -> memref<50x64xf32, #tpu.memory_space<hbm>>
        %dma_start3A_134 = arith.constant 0 : i32
        %dma_start3A_135 = arith.constant 0 : i32
        %dma_start3A_136 = tpu.memref_slice %arg6[%dma_start3A_134, %dma_start3A_135] : memref<400x64xf32, #tpu.memory_space<vmem>> -> memref<50x64xf32, #tpu.memory_space<vmem>>
        tpu.enqueue_dma source(%dma_start3A_136 : memref<50x64xf32, #tpu.memory_space<vmem>>) target(%dma_start3A_133 : memref<50x64xf32, #tpu.memory_space<hbm>>) target_semaphore(%run_scoped3A : memref<!tpu.dma_semaphore, #tpu.memory_space<semaphore_mem>>)
        %dma_wait3A_137 = arith.constant 0 : i32
        %dma_wait3A_138 = arith.constant 0 : i32
        %dma_wait3A_139 = tpu.memref_slice %arg6[%dma_wait3A_137, %dma_wait3A_138] : memref<400x64xf32, #tpu.memory_space<vmem>> -> memref<50x64xf32, #tpu.memory_space<vmem>>
        %dma_wait3A_140 = arith.constant 0 : i32
        %dma_wait3A_141 = arith.constant 0 : i32
        %dma_wait3A_142 = tpu.memref_slice %arg4[%add3A_48, %dma_wait3A_140, %dma_wait3A_141] : memref<16384x50x64xf32, #tpu.memory_space<hbm>> -> memref<1x50x64xf32, #tpu.memory_space<hbm>>
        %dma_wait3A_143 = tpu.memref_squeeze %dma_wait3A_142 : memref<1x50x64xf32, #tpu.memory_space<hbm>> -> memref<50x64xf32, #tpu.memory_space<hbm>>
        %dma_wait3A_144 = arith.constant 0 : i32
        %dma_wait3A_145 = arith.constant 0 : i32
        %dma_wait3A_146 = tpu.memref_slice %arg4[%add3A_48, %dma_wait3A_144, %dma_wait3A_145] : memref<16384x50x64xf32, #tpu.memory_space<hbm>> -> memref<1x50x64xf32, #tpu.memory_space<hbm>>
        %dma_wait3A_147 = tpu.memref_squeeze %dma_wait3A_146 : memref<1x50x64xf32, #tpu.memory_space<hbm>> -> memref<50x64xf32, #tpu.memory_space<hbm>>
        %dma_wait3A_148 = arith.constant 0 : i32
        %dma_wait3A_149 = arith.constant 0 : i32
        %dma_wait3A_150 = tpu.memref_slice %arg6[%dma_wait3A_148, %dma_wait3A_149] : memref<400x64xf32, #tpu.memory_space<vmem>> -> memref<50x64xf32, #tpu.memory_space<vmem>>
        tpu.wait_dma2 semaphore(%run_scoped3A : memref<!tpu.dma_semaphore, #tpu.memory_space<semaphore_mem>>) src(%dma_wait3A_150 : memref<50x64xf32, #tpu.memory_space<vmem>>) dst(%dma_wait3A_147 : memref<50x64xf32, #tpu.memory_space<hbm>>)
        tpu.yield
      }) : () -> ()
      %add3A_49 = arith.constant 1 : i32
      %add3A_50 = arith.addi %select_n3A, %add3A_49 : i32
      "tpu.region"() ({
        %run_scoped3A = tpu.sem_alloc : memref<!tpu.dma_semaphore, #tpu.memory_space<semaphore_mem>>
        %dma_start3A_123 = arith.constant 50 : i32
        %dma_start3A_124 = arith.constant 0 : i32
        %dma_start3A_125 = tpu.memref_slice %arg6[%dma_start3A_123, %dma_start3A_124] : memref<400x64xf32, #tpu.memory_space<vmem>> -> memref<50x64xf32, #tpu.memory_space<vmem>>
        %dma_start3A_126 = arith.constant 0 : i32
        %dma_start3A_127 = arith.constant 0 : i32
        %dma_start3A_128 = tpu.memref_slice %arg4[%add3A_50, %dma_start3A_126, %dma_start3A_127] : memref<16384x50x64xf32, #tpu.memory_space<hbm>> -> memref<1x50x64xf32, #tpu.memory_space<hbm>>
        %dma_start3A_129 = tpu.memref_squeeze %dma_start3A_128 : memref<1x50x64xf32, #tpu.memory_space<hbm>> -> memref<50x64xf32, #tpu.memory_space<hbm>>
        %dma_start3A_130 = arith.constant 0 : i32
        %dma_start3A_131 = arith.constant 0 : i32
        %dma_start3A_132 = tpu.memref_slice %arg4[%add3A_50, %dma_start3A_130, %dma_start3A_131] : memref<16384x50x64xf32, #tpu.memory_space<hbm>> -> memref<1x50x64xf32, #tpu.memory_space<hbm>>
        %dma_start3A_133 = tpu.memref_squeeze %dma_start3A_132 : memref<1x50x64xf32, #tpu.memory_space<hbm>> -> memref<50x64xf32, #tpu.memory_space<hbm>>
        %dma_start3A_134 = arith.constant 50 : i32
        %dma_start3A_135 = arith.constant 0 : i32
        %dma_start3A_136 = tpu.memref_slice %arg6[%dma_start3A_134, %dma_start3A_135] : memref<400x64xf32, #tpu.memory_space<vmem>> -> memref<50x64xf32, #tpu.memory_space<vmem>>
        tpu.enqueue_dma source(%dma_start3A_136 : memref<50x64xf32, #tpu.memory_space<vmem>>) target(%dma_start3A_133 : memref<50x64xf32, #tpu.memory_space<hbm>>) target_semaphore(%run_scoped3A : memref<!tpu.dma_semaphore, #tpu.memory_space<semaphore_mem>>)
        %dma_wait3A_137 = arith.constant 50 : i32
        %dma_wait3A_138 = arith.constant 0 : i32
        %dma_wait3A_139 = tpu.memref_slice %arg6[%dma_wait3A_137, %dma_wait3A_138] : memref<400x64xf32, #tpu.memory_space<vmem>> -> memref<50x64xf32, #tpu.memory_space<vmem>>
        %dma_wait3A_140 = arith.constant 0 : i32
        %dma_wait3A_141 = arith.constant 0 : i32
        %dma_wait3A_142 = tpu.memref_slice %arg4[%add3A_50, %dma_wait3A_140, %dma_wait3A_141] : memref<16384x50x64xf32, #tpu.memory_space<hbm>> -> memref<1x50x64xf32, #tpu.memory_space<hbm>>
        %dma_wait3A_143 = tpu.memref_squeeze %dma_wait3A_142 : memref<1x50x64xf32, #tpu.memory_space<hbm>> -> memref<50x64xf32, #tpu.memory_space<hbm>>
        %dma_wait3A_144 = arith.constant 0 : i32
        %dma_wait3A_145 = arith.constant 0 : i32
        %dma_wait3A_146 = tpu.memref_slice %arg4[%add3A_50, %dma_wait3A_144, %dma_wait3A_145] : memref<16384x50x64xf32, #tpu.memory_space<hbm>> -> memref<1x50x64xf32, #tpu.memory_space<hbm>>
        %dma_wait3A_147 = tpu.memref_squeeze %dma_wait3A_146 : memref<1x50x64xf32, #tpu.memory_space<hbm>> -> memref<50x64xf32, #tpu.memory_space<hbm>>
        %dma_wait3A_148 = arith.constant 50 : i32
        %dma_wait3A_149 = arith.constant 0 : i32
        %dma_wait3A_150 = tpu.memref_slice %arg6[%dma_wait3A_148, %dma_wait3A_149] : memref<400x64xf32, #tpu.memory_space<vmem>> -> memref<50x64xf32, #tpu.memory_space<vmem>>
        tpu.wait_dma2 semaphore(%run_scoped3A : memref<!tpu.dma_semaphore, #tpu.memory_space<semaphore_mem>>) src(%dma_wait3A_150 : memref<50x64xf32, #tpu.memory_space<vmem>>) dst(%dma_wait3A_147 : memref<50x64xf32, #tpu.memory_space<hbm>>)
        tpu.yield
      }) : () -> ()
      %add3A_51 = arith.constant 2 : i32
      %add3A_52 = arith.addi %select_n3A, %add3A_51 : i32
      "tpu.region"() ({
        %run_scoped3A = tpu.sem_alloc : memref<!tpu.dma_semaphore, #tpu.memory_space<semaphore_mem>>
        %dma_start3A_123 = arith.constant 100 : i32
        %dma_start3A_124 = arith.constant 0 : i32
        %dma_start3A_125 = tpu.memref_slice %arg6[%dma_start3A_123, %dma_start3A_124] : memref<400x64xf32, #tpu.memory_space<vmem>> -> memref<50x64xf32, #tpu.memory_space<vmem>>
        %dma_start3A_126 = arith.constant 0 : i32
        %dma_start3A_127 = arith.constant 0 : i32
        %dma_start3A_128 = tpu.memref_slice %arg4[%add3A_52, %dma_start3A_126, %dma_start3A_127] : memref<16384x50x64xf32, #tpu.memory_space<hbm>> -> memref<1x50x64xf32, #tpu.memory_space<hbm>>
        %dma_start3A_129 = tpu.memref_squeeze %dma_start3A_128 : memref<1x50x64xf32, #tpu.memory_space<hbm>> -> memref<50x64xf32, #tpu.memory_space<hbm>>
        %dma_start3A_130 = arith.constant 0 : i32
        %dma_start3A_131 = arith.constant 0 : i32
        %dma_start3A_132 = tpu.memref_slice %arg4[%add3A_52, %dma_start3A_130, %dma_start3A_131] : memref<16384x50x64xf32, #tpu.memory_space<hbm>> -> memref<1x50x64xf32, #tpu.memory_space<hbm>>
        %dma_start3A_133 = tpu.memref_squeeze %dma_start3A_132 : memref<1x50x64xf32, #tpu.memory_space<hbm>> -> memref<50x64xf32, #tpu.memory_space<hbm>>
        %dma_start3A_134 = arith.constant 100 : i32
        %dma_start3A_135 = arith.constant 0 : i32
        %dma_start3A_136 = tpu.memref_slice %arg6[%dma_start3A_134, %dma_start3A_135] : memref<400x64xf32, #tpu.memory_space<vmem>> -> memref<50x64xf32, #tpu.memory_space<vmem>>
        tpu.enqueue_dma source(%dma_start3A_136 : memref<50x64xf32, #tpu.memory_space<vmem>>) target(%dma_start3A_133 : memref<50x64xf32, #tpu.memory_space<hbm>>) target_semaphore(%run_scoped3A : memref<!tpu.dma_semaphore, #tpu.memory_space<semaphore_mem>>)
        %dma_wait3A_137 = arith.constant 100 : i32
        %dma_wait3A_138 = arith.constant 0 : i32
        %dma_wait3A_139 = tpu.memref_slice %arg6[%dma_wait3A_137, %dma_wait3A_138] : memref<400x64xf32, #tpu.memory_space<vmem>> -> memref<50x64xf32, #tpu.memory_space<vmem>>
        %dma_wait3A_140 = arith.constant 0 : i32
        %dma_wait3A_141 = arith.constant 0 : i32
        %dma_wait3A_142 = tpu.memref_slice %arg4[%add3A_52, %dma_wait3A_140, %dma_wait3A_141] : memref<16384x50x64xf32, #tpu.memory_space<hbm>> -> memref<1x50x64xf32, #tpu.memory_space<hbm>>
        %dma_wait3A_143 = tpu.memref_squeeze %dma_wait3A_142 : memref<1x50x64xf32, #tpu.memory_space<hbm>> -> memref<50x64xf32, #tpu.memory_space<hbm>>
        %dma_wait3A_144 = arith.constant 0 : i32
        %dma_wait3A_145 = arith.constant 0 : i32
        %dma_wait3A_146 = tpu.memref_slice %arg4[%add3A_52, %dma_wait3A_144, %dma_wait3A_145] : memref<16384x50x64xf32, #tpu.memory_space<hbm>> -> memref<1x50x64xf32, #tpu.memory_space<hbm>>
        %dma_wait3A_147 = tpu.memref_squeeze %dma_wait3A_146 : memref<1x50x64xf32, #tpu.memory_space<hbm>> -> memref<50x64xf32, #tpu.memory_space<hbm>>
        %dma_wait3A_148 = arith.constant 100 : i32
        %dma_wait3A_149 = arith.constant 0 : i32
        %dma_wait3A_150 = tpu.memref_slice %arg6[%dma_wait3A_148, %dma_wait3A_149] : memref<400x64xf32, #tpu.memory_space<vmem>> -> memref<50x64xf32, #tpu.memory_space<vmem>>
        tpu.wait_dma2 semaphore(%run_scoped3A : memref<!tpu.dma_semaphore, #tpu.memory_space<semaphore_mem>>) src(%dma_wait3A_150 : memref<50x64xf32, #tpu.memory_space<vmem>>) dst(%dma_wait3A_147 : memref<50x64xf32, #tpu.memory_space<hbm>>)
        tpu.yield
      }) : () -> ()
      %add3A_53 = arith.constant 3 : i32
      %add3A_54 = arith.addi %select_n3A, %add3A_53 : i32
      "tpu.region"() ({
        %run_scoped3A = tpu.sem_alloc : memref<!tpu.dma_semaphore, #tpu.memory_space<semaphore_mem>>
        %dma_start3A_123 = arith.constant 150 : i32
        %dma_start3A_124 = arith.constant 0 : i32
        %dma_start3A_125 = tpu.memref_slice %arg6[%dma_start3A_123, %dma_start3A_124] : memref<400x64xf32, #tpu.memory_space<vmem>> -> memref<50x64xf32, #tpu.memory_space<vmem>>
        %dma_start3A_126 = arith.constant 0 : i32
        %dma_start3A_127 = arith.constant 0 : i32
        %dma_start3A_128 = tpu.memref_slice %arg4[%add3A_54, %dma_start3A_126, %dma_start3A_127] : memref<16384x50x64xf32, #tpu.memory_space<hbm>> -> memref<1x50x64xf32, #tpu.memory_space<hbm>>
        %dma_start3A_129 = tpu.memref_squeeze %dma_start3A_128 : memref<1x50x64xf32, #tpu.memory_space<hbm>> -> memref<50x64xf32, #tpu.memory_space<hbm>>
        %dma_start3A_130 = arith.constant 0 : i32
        %dma_start3A_131 = arith.constant 0 : i32
        %dma_start3A_132 = tpu.memref_slice %arg4[%add3A_54, %dma_start3A_130, %dma_start3A_131] : memref<16384x50x64xf32, #tpu.memory_space<hbm>> -> memref<1x50x64xf32, #tpu.memory_space<hbm>>
        %dma_start3A_133 = tpu.memref_squeeze %dma_start3A_132 : memref<1x50x64xf32, #tpu.memory_space<hbm>> -> memref<50x64xf32, #tpu.memory_space<hbm>>
        %dma_start3A_134 = arith.constant 150 : i32
        %dma_start3A_135 = arith.constant 0 : i32
        %dma_start3A_136 = tpu.memref_slice %arg6[%dma_start3A_134, %dma_start3A_135] : memref<400x64xf32, #tpu.memory_space<vmem>> -> memref<50x64xf32, #tpu.memory_space<vmem>>
        tpu.enqueue_dma source(%dma_start3A_136 : memref<50x64xf32, #tpu.memory_space<vmem>>) target(%dma_start3A_133 : memref<50x64xf32, #tpu.memory_space<hbm>>) target_semaphore(%run_scoped3A : memref<!tpu.dma_semaphore, #tpu.memory_space<semaphore_mem>>)
        %dma_wait3A_137 = arith.constant 150 : i32
        %dma_wait3A_138 = arith.constant 0 : i32
        %dma_wait3A_139 = tpu.memref_slice %arg6[%dma_wait3A_137, %dma_wait3A_138] : memref<400x64xf32, #tpu.memory_space<vmem>> -> memref<50x64xf32, #tpu.memory_space<vmem>>
        %dma_wait3A_140 = arith.constant 0 : i32
        %dma_wait3A_141 = arith.constant 0 : i32
        %dma_wait3A_142 = tpu.memref_slice %arg4[%add3A_54, %dma_wait3A_140, %dma_wait3A_141] : memref<16384x50x64xf32, #tpu.memory_space<hbm>> -> memref<1x50x64xf32, #tpu.memory_space<hbm>>
        %dma_wait3A_143 = tpu.memref_squeeze %dma_wait3A_142 : memref<1x50x64xf32, #tpu.memory_space<hbm>> -> memref<50x64xf32, #tpu.memory_space<hbm>>
        %dma_wait3A_144 = arith.constant 0 : i32
        %dma_wait3A_145 = arith.constant 0 : i32
        %dma_wait3A_146 = tpu.memref_slice %arg4[%add3A_54, %dma_wait3A_144, %dma_wait3A_145] : memref<16384x50x64xf32, #tpu.memory_space<hbm>> -> memref<1x50x64xf32, #tpu.memory_space<hbm>>
        %dma_wait3A_147 = tpu.memref_squeeze %dma_wait3A_146 : memref<1x50x64xf32, #tpu.memory_space<hbm>> -> memref<50x64xf32, #tpu.memory_space<hbm>>
        %dma_wait3A_148 = arith.constant 150 : i32
        %dma_wait3A_149 = arith.constant 0 : i32
        %dma_wait3A_150 = tpu.memref_slice %arg6[%dma_wait3A_148, %dma_wait3A_149] : memref<400x64xf32, #tpu.memory_space<vmem>> -> memref<50x64xf32, #tpu.memory_space<vmem>>
        tpu.wait_dma2 semaphore(%run_scoped3A : memref<!tpu.dma_semaphore, #tpu.memory_space<semaphore_mem>>) src(%dma_wait3A_150 : memref<50x64xf32, #tpu.memory_space<vmem>>) dst(%dma_wait3A_147 : memref<50x64xf32, #tpu.memory_space<hbm>>)
        tpu.yield
      }) : () -> ()
      %add3A_55 = arith.constant 4 : i32
      %add3A_56 = arith.addi %select_n3A, %add3A_55 : i32
      "tpu.region"() ({
        %run_scoped3A = tpu.sem_alloc : memref<!tpu.dma_semaphore, #tpu.memory_space<semaphore_mem>>
        %dma_start3A_123 = arith.constant 200 : i32
        %dma_start3A_124 = arith.constant 0 : i32
        %dma_start3A_125 = tpu.memref_slice %arg6[%dma_start3A_123, %dma_start3A_124] : memref<400x64xf32, #tpu.memory_space<vmem>> -> memref<50x64xf32, #tpu.memory_space<vmem>>
        %dma_start3A_126 = arith.constant 0 : i32
        %dma_start3A_127 = arith.constant 0 : i32
        %dma_start3A_128 = tpu.memref_slice %arg4[%add3A_56, %dma_start3A_126, %dma_start3A_127] : memref<16384x50x64xf32, #tpu.memory_space<hbm>> -> memref<1x50x64xf32, #tpu.memory_space<hbm>>
        %dma_start3A_129 = tpu.memref_squeeze %dma_start3A_128 : memref<1x50x64xf32, #tpu.memory_space<hbm>> -> memref<50x64xf32, #tpu.memory_space<hbm>>
        %dma_start3A_130 = arith.constant 0 : i32
        %dma_start3A_131 = arith.constant 0 : i32
        %dma_start3A_132 = tpu.memref_slice %arg4[%add3A_56, %dma_start3A_130, %dma_start3A_131] : memref<16384x50x64xf32, #tpu.memory_space<hbm>> -> memref<1x50x64xf32, #tpu.memory_space<hbm>>
        %dma_start3A_133 = tpu.memref_squeeze %dma_start3A_132 : memref<1x50x64xf32, #tpu.memory_space<hbm>> -> memref<50x64xf32, #tpu.memory_space<hbm>>
        %dma_start3A_134 = arith.constant 200 : i32
        %dma_start3A_135 = arith.constant 0 : i32
        %dma_start3A_136 = tpu.memref_slice %arg6[%dma_start3A_134, %dma_start3A_135] : memref<400x64xf32, #tpu.memory_space<vmem>> -> memref<50x64xf32, #tpu.memory_space<vmem>>
        tpu.enqueue_dma source(%dma_start3A_136 : memref<50x64xf32, #tpu.memory_space<vmem>>) target(%dma_start3A_133 : memref<50x64xf32, #tpu.memory_space<hbm>>) target_semaphore(%run_scoped3A : memref<!tpu.dma_semaphore, #tpu.memory_space<semaphore_mem>>)
        %dma_wait3A_137 = arith.constant 200 : i32
        %dma_wait3A_138 = arith.constant 0 : i32
        %dma_wait3A_139 = tpu.memref_slice %arg6[%dma_wait3A_137, %dma_wait3A_138] : memref<400x64xf32, #tpu.memory_space<vmem>> -> memref<50x64xf32, #tpu.memory_space<vmem>>
        %dma_wait3A_140 = arith.constant 0 : i32
        %dma_wait3A_141 = arith.constant 0 : i32
        %dma_wait3A_142 = tpu.memref_slice %arg4[%add3A_56, %dma_wait3A_140, %dma_wait3A_141] : memref<16384x50x64xf32, #tpu.memory_space<hbm>> -> memref<1x50x64xf32, #tpu.memory_space<hbm>>
        %dma_wait3A_143 = tpu.memref_squeeze %dma_wait3A_142 : memref<1x50x64xf32, #tpu.memory_space<hbm>> -> memref<50x64xf32, #tpu.memory_space<hbm>>
        %dma_wait3A_144 = arith.constant 0 : i32
        %dma_wait3A_145 = arith.constant 0 : i32
        %dma_wait3A_146 = tpu.memref_slice %arg4[%add3A_56, %dma_wait3A_144, %dma_wait3A_145] : memref<16384x50x64xf32, #tpu.memory_space<hbm>> -> memref<1x50x64xf32, #tpu.memory_space<hbm>>
        %dma_wait3A_147 = tpu.memref_squeeze %dma_wait3A_146 : memref<1x50x64xf32, #tpu.memory_space<hbm>> -> memref<50x64xf32, #tpu.memory_space<hbm>>
        %dma_wait3A_148 = arith.constant 200 : i32
        %dma_wait3A_149 = arith.constant 0 : i32
        %dma_wait3A_150 = tpu.memref_slice %arg6[%dma_wait3A_148, %dma_wait3A_149] : memref<400x64xf32, #tpu.memory_space<vmem>> -> memref<50x64xf32, #tpu.memory_space<vmem>>
        tpu.wait_dma2 semaphore(%run_scoped3A : memref<!tpu.dma_semaphore, #tpu.memory_space<semaphore_mem>>) src(%dma_wait3A_150 : memref<50x64xf32, #tpu.memory_space<vmem>>) dst(%dma_wait3A_147 : memref<50x64xf32, #tpu.memory_space<hbm>>)
        tpu.yield
      }) : () -> ()
      %add3A_57 = arith.constant 5 : i32
      %add3A_58 = arith.addi %select_n3A, %add3A_57 : i32
      "tpu.region"() ({
        %run_scoped3A = tpu.sem_alloc : memref<!tpu.dma_semaphore, #tpu.memory_space<semaphore_mem>>
        %dma_start3A_123 = arith.constant 250 : i32
        %dma_start3A_124 = arith.constant 0 : i32
        %dma_start3A_125 = tpu.memref_slice %arg6[%dma_start3A_123, %dma_start3A_124] : memref<400x64xf32, #tpu.memory_space<vmem>> -> memref<50x64xf32, #tpu.memory_space<vmem>>
        %dma_start3A_126 = arith.constant 0 : i32
        %dma_start3A_127 = arith.constant 0 : i32
        %dma_start3A_128 = tpu.memref_slice %arg4[%add3A_58, %dma_start3A_126, %dma_start3A_127] : memref<16384x50x64xf32, #tpu.memory_space<hbm>> -> memref<1x50x64xf32, #tpu.memory_space<hbm>>
        %dma_start3A_129 = tpu.memref_squeeze %dma_start3A_128 : memref<1x50x64xf32, #tpu.memory_space<hbm>> -> memref<50x64xf32, #tpu.memory_space<hbm>>
        %dma_start3A_130 = arith.constant 0 : i32
        %dma_start3A_131 = arith.constant 0 : i32
        %dma_start3A_132 = tpu.memref_slice %arg4[%add3A_58, %dma_start3A_130, %dma_start3A_131] : memref<16384x50x64xf32, #tpu.memory_space<hbm>> -> memref<1x50x64xf32, #tpu.memory_space<hbm>>
        %dma_start3A_133 = tpu.memref_squeeze %dma_start3A_132 : memref<1x50x64xf32, #tpu.memory_space<hbm>> -> memref<50x64xf32, #tpu.memory_space<hbm>>
        %dma_start3A_134 = arith.constant 250 : i32
        %dma_start3A_135 = arith.constant 0 : i32
        %dma_start3A_136 = tpu.memref_slice %arg6[%dma_start3A_134, %dma_start3A_135] : memref<400x64xf32, #tpu.memory_space<vmem>> -> memref<50x64xf32, #tpu.memory_space<vmem>>
        tpu.enqueue_dma source(%dma_start3A_136 : memref<50x64xf32, #tpu.memory_space<vmem>>) target(%dma_start3A_133 : memref<50x64xf32, #tpu.memory_space<hbm>>) target_semaphore(%run_scoped3A : memref<!tpu.dma_semaphore, #tpu.memory_space<semaphore_mem>>)
        %dma_wait3A_137 = arith.constant 250 : i32
        %dma_wait3A_138 = arith.constant 0 : i32
        %dma_wait3A_139 = tpu.memref_slice %arg6[%dma_wait3A_137, %dma_wait3A_138] : memref<400x64xf32, #tpu.memory_space<vmem>> -> memref<50x64xf32, #tpu.memory_space<vmem>>
        %dma_wait3A_140 = arith.constant 0 : i32
        %dma_wait3A_141 = arith.constant 0 : i32
        %dma_wait3A_142 = tpu.memref_slice %arg4[%add3A_58, %dma_wait3A_140, %dma_wait3A_141] : memref<16384x50x64xf32, #tpu.memory_space<hbm>> -> memref<1x50x64xf32, #tpu.memory_space<hbm>>
        %dma_wait3A_143 = tpu.memref_squeeze %dma_wait3A_142 : memref<1x50x64xf32, #tpu.memory_space<hbm>> -> memref<50x64xf32, #tpu.memory_space<hbm>>
        %dma_wait3A_144 = arith.constant 0 : i32
        %dma_wait3A_145 = arith.constant 0 : i32
        %dma_wait3A_146 = tpu.memref_slice %arg4[%add3A_58, %dma_wait3A_144, %dma_wait3A_145] : memref<16384x50x64xf32, #tpu.memory_space<hbm>> -> memref<1x50x64xf32, #tpu.memory_space<hbm>>
        %dma_wait3A_147 = tpu.memref_squeeze %dma_wait3A_146 : memref<1x50x64xf32, #tpu.memory_space<hbm>> -> memref<50x64xf32, #tpu.memory_space<hbm>>
        %dma_wait3A_148 = arith.constant 250 : i32
        %dma_wait3A_149 = arith.constant 0 : i32
        %dma_wait3A_150 = tpu.memref_slice %arg6[%dma_wait3A_148, %dma_wait3A_149] : memref<400x64xf32, #tpu.memory_space<vmem>> -> memref<50x64xf32, #tpu.memory_space<vmem>>
        tpu.wait_dma2 semaphore(%run_scoped3A : memref<!tpu.dma_semaphore, #tpu.memory_space<semaphore_mem>>) src(%dma_wait3A_150 : memref<50x64xf32, #tpu.memory_space<vmem>>) dst(%dma_wait3A_147 : memref<50x64xf32, #tpu.memory_space<hbm>>)
        tpu.yield
      }) : () -> ()
      %add3A_59 = arith.constant 6 : i32
      %add3A_60 = arith.addi %select_n3A, %add3A_59 : i32
      "tpu.region"() ({
        %run_scoped3A = tpu.sem_alloc : memref<!tpu.dma_semaphore, #tpu.memory_space<semaphore_mem>>
        %dma_start3A_123 = arith.constant 300 : i32
        %dma_start3A_124 = arith.constant 0 : i32
        %dma_start3A_125 = tpu.memref_slice %arg6[%dma_start3A_123, %dma_start3A_124] : memref<400x64xf32, #tpu.memory_space<vmem>> -> memref<50x64xf32, #tpu.memory_space<vmem>>
        %dma_start3A_126 = arith.constant 0 : i32
        %dma_start3A_127 = arith.constant 0 : i32
        %dma_start3A_128 = tpu.memref_slice %arg4[%add3A_60, %dma_start3A_126, %dma_start3A_127] : memref<16384x50x64xf32, #tpu.memory_space<hbm>> -> memref<1x50x64xf32, #tpu.memory_space<hbm>>
        %dma_start3A_129 = tpu.memref_squeeze %dma_start3A_128 : memref<1x50x64xf32, #tpu.memory_space<hbm>> -> memref<50x64xf32, #tpu.memory_space<hbm>>
        %dma_start3A_130 = arith.constant 0 : i32
        %dma_start3A_131 = arith.constant 0 : i32
        %dma_start3A_132 = tpu.memref_slice %arg4[%add3A_60, %dma_start3A_130, %dma_start3A_131] : memref<16384x50x64xf32, #tpu.memory_space<hbm>> -> memref<1x50x64xf32, #tpu.memory_space<hbm>>
        %dma_start3A_133 = tpu.memref_squeeze %dma_start3A_132 : memref<1x50x64xf32, #tpu.memory_space<hbm>> -> memref<50x64xf32, #tpu.memory_space<hbm>>
        %dma_start3A_134 = arith.constant 300 : i32
        %dma_start3A_135 = arith.constant 0 : i32
        %dma_start3A_136 = tpu.memref_slice %arg6[%dma_start3A_134, %dma_start3A_135] : memref<400x64xf32, #tpu.memory_space<vmem>> -> memref<50x64xf32, #tpu.memory_space<vmem>>
        tpu.enqueue_dma source(%dma_start3A_136 : memref<50x64xf32, #tpu.memory_space<vmem>>) target(%dma_start3A_133 : memref<50x64xf32, #tpu.memory_space<hbm>>) target_semaphore(%run_scoped3A : memref<!tpu.dma_semaphore, #tpu.memory_space<semaphore_mem>>)
        %dma_wait3A_137 = arith.constant 300 : i32
        %dma_wait3A_138 = arith.constant 0 : i32
        %dma_wait3A_139 = tpu.memref_slice %arg6[%dma_wait3A_137, %dma_wait3A_138] : memref<400x64xf32, #tpu.memory_space<vmem>> -> memref<50x64xf32, #tpu.memory_space<vmem>>
        %dma_wait3A_140 = arith.constant 0 : i32
        %dma_wait3A_141 = arith.constant 0 : i32
        %dma_wait3A_142 = tpu.memref_slice %arg4[%add3A_60, %dma_wait3A_140, %dma_wait3A_141] : memref<16384x50x64xf32, #tpu.memory_space<hbm>> -> memref<1x50x64xf32, #tpu.memory_space<hbm>>
        %dma_wait3A_143 = tpu.memref_squeeze %dma_wait3A_142 : memref<1x50x64xf32, #tpu.memory_space<hbm>> -> memref<50x64xf32, #tpu.memory_space<hbm>>
        %dma_wait3A_144 = arith.constant 0 : i32
        %dma_wait3A_145 = arith.constant 0 : i32
        %dma_wait3A_146 = tpu.memref_slice %arg4[%add3A_60, %dma_wait3A_144, %dma_wait3A_145] : memref<16384x50x64xf32, #tpu.memory_space<hbm>> -> memref<1x50x64xf32, #tpu.memory_space<hbm>>
        %dma_wait3A_147 = tpu.memref_squeeze %dma_wait3A_146 : memref<1x50x64xf32, #tpu.memory_space<hbm>> -> memref<50x64xf32, #tpu.memory_space<hbm>>
        %dma_wait3A_148 = arith.constant 300 : i32
        %dma_wait3A_149 = arith.constant 0 : i32
        %dma_wait3A_150 = tpu.memref_slice %arg6[%dma_wait3A_148, %dma_wait3A_149] : memref<400x64xf32, #tpu.memory_space<vmem>> -> memref<50x64xf32, #tpu.memory_space<vmem>>
        tpu.wait_dma2 semaphore(%run_scoped3A : memref<!tpu.dma_semaphore, #tpu.memory_space<semaphore_mem>>) src(%dma_wait3A_150 : memref<50x64xf32, #tpu.memory_space<vmem>>) dst(%dma_wait3A_147 : memref<50x64xf32, #tpu.memory_space<hbm>>)
        tpu.yield
      }) : () -> ()
      %add3A_61 = arith.constant 7 : i32
      %add3A_62 = arith.addi %select_n3A, %add3A_61 : i32
      "tpu.region"() ({
        %run_scoped3A = tpu.sem_alloc : memref<!tpu.dma_semaphore, #tpu.memory_space<semaphore_mem>>
        %dma_start3A_123 = arith.constant 350 : i32
        %dma_start3A_124 = arith.constant 0 : i32
        %dma_start3A_125 = tpu.memref_slice %arg6[%dma_start3A_123, %dma_start3A_124] : memref<400x64xf32, #tpu.memory_space<vmem>> -> memref<50x64xf32, #tpu.memory_space<vmem>>
        %dma_start3A_126 = arith.constant 0 : i32
        %dma_start3A_127 = arith.constant 0 : i32
        %dma_start3A_128 = tpu.memref_slice %arg4[%add3A_62, %dma_start3A_126, %dma_start3A_127] : memref<16384x50x64xf32, #tpu.memory_space<hbm>> -> memref<1x50x64xf32, #tpu.memory_space<hbm>>
        %dma_start3A_129 = tpu.memref_squeeze %dma_start3A_128 : memref<1x50x64xf32, #tpu.memory_space<hbm>> -> memref<50x64xf32, #tpu.memory_space<hbm>>
        %dma_start3A_130 = arith.constant 0 : i32
        %dma_start3A_131 = arith.constant 0 : i32
        %dma_start3A_132 = tpu.memref_slice %arg4[%add3A_62, %dma_start3A_130, %dma_start3A_131] : memref<16384x50x64xf32, #tpu.memory_space<hbm>> -> memref<1x50x64xf32, #tpu.memory_space<hbm>>
        %dma_start3A_133 = tpu.memref_squeeze %dma_start3A_132 : memref<1x50x64xf32, #tpu.memory_space<hbm>> -> memref<50x64xf32, #tpu.memory_space<hbm>>
        %dma_start3A_134 = arith.constant 350 : i32
        %dma_start3A_135 = arith.constant 0 : i32
        %dma_start3A_136 = tpu.memref_slice %arg6[%dma_start3A_134, %dma_start3A_135] : memref<400x64xf32, #tpu.memory_space<vmem>> -> memref<50x64xf32, #tpu.memory_space<vmem>>
        tpu.enqueue_dma source(%dma_start3A_136 : memref<50x64xf32, #tpu.memory_space<vmem>>) target(%dma_start3A_133 : memref<50x64xf32, #tpu.memory_space<hbm>>) target_semaphore(%run_scoped3A : memref<!tpu.dma_semaphore, #tpu.memory_space<semaphore_mem>>)
        %dma_wait3A_137 = arith.constant 350 : i32
        %dma_wait3A_138 = arith.constant 0 : i32
        %dma_wait3A_139 = tpu.memref_slice %arg6[%dma_wait3A_137, %dma_wait3A_138] : memref<400x64xf32, #tpu.memory_space<vmem>> -> memref<50x64xf32, #tpu.memory_space<vmem>>
        %dma_wait3A_140 = arith.constant 0 : i32
        %dma_wait3A_141 = arith.constant 0 : i32
        %dma_wait3A_142 = tpu.memref_slice %arg4[%add3A_62, %dma_wait3A_140, %dma_wait3A_141] : memref<16384x50x64xf32, #tpu.memory_space<hbm>> -> memref<1x50x64xf32, #tpu.memory_space<hbm>>
        %dma_wait3A_143 = tpu.memref_squeeze %dma_wait3A_142 : memref<1x50x64xf32, #tpu.memory_space<hbm>> -> memref<50x64xf32, #tpu.memory_space<hbm>>
        %dma_wait3A_144 = arith.constant 0 : i32
        %dma_wait3A_145 = arith.constant 0 : i32
        %dma_wait3A_146 = tpu.memref_slice %arg4[%add3A_62, %dma_wait3A_144, %dma_wait3A_145] : memref<16384x50x64xf32, #tpu.memory_space<hbm>> -> memref<1x50x64xf32, #tpu.memory_space<hbm>>
        %dma_wait3A_147 = tpu.memref_squeeze %dma_wait3A_146 : memref<1x50x64xf32, #tpu.memory_space<hbm>> -> memref<50x64xf32, #tpu.memory_space<hbm>>
        %dma_wait3A_148 = arith.constant 350 : i32
        %dma_wait3A_149 = arith.constant 0 : i32
        %dma_wait3A_150 = tpu.memref_slice %arg6[%dma_wait3A_148, %dma_wait3A_149] : memref<400x64xf32, #tpu.memory_space<vmem>> -> memref<50x64xf32, #tpu.memory_space<vmem>>
        tpu.wait_dma2 semaphore(%run_scoped3A : memref<!tpu.dma_semaphore, #tpu.memory_space<semaphore_mem>>) src(%dma_wait3A_150 : memref<50x64xf32, #tpu.memory_space<vmem>>) dst(%dma_wait3A_147 : memref<50x64xf32, #tpu.memory_space<hbm>>)
        tpu.yield
      }) : () -> ()
      %mul3A_63 = arith.constant 2 : i32
      %mul3A_64 = arith.muli %scan3A_14, %mul3A_63 : i32
      %add3A_65 = arith.constant 1 : i32
      %add3A_66 = arith.addi %mul3A_64, %add3A_65 : i32
      %add3A_67 = arith.constant 1 : i32
      %add3A_68 = arith.addi %add3A_66, %add3A_67 : i32
      %lt3A_69 = arith.constant 64 : i32
      %lt3A_70 = arith.cmpi slt, %add3A_68, %lt3A_69 : i32
      %convert_element_type3A_71 = arith.extui %lt3A_70 : i1 to i32
      %cond3A_72 = arith.constant 0 : i32
      %cond3A_73 = arith.cmpi ne, %convert_element_type3A_71, %cond3A_72 : i32
      scf.if %cond3A_73 {
        %add3A_123 = arith.constant 1 : i32
        %add3A_124 = arith.addi %add3A_66, %add3A_123 : i32
        %dma_start3A_125 = arith.constant 0 : i32
        %dma_start3A_126 = tpu.memref_slice %arg5[%add3A_124, %dma_start3A_125] : memref<64x400xi32, #tpu.memory_space<vmem>> -> memref<1x400xi32, #tpu.memory_space<vmem>>
        %dma_start3A_127 = tpu.memref_squeeze %dma_start3A_126 : memref<1x400xi32, #tpu.memory_space<vmem>> -> memref<400xi32, #tpu.memory_space<vmem>>
        %dma_start3A_128 = arith.constant 0 : i32
        %dma_start3A_129 = arith.constant 0 : i32
        %dma_start3A_130 = tpu.memref_slice %arg3[%dma_start3A_128, %dma_start3A_129] : memref<1000000x64xf32, #tpu.memory_space<hbm>> -> memref<1000000x64xf32, #tpu.memory_space<hbm>>
        tpu.enqueue_indirect_dma source(%dma_start3A_130 : memref<1000000x64xf32, #tpu.memory_space<hbm>>) target(%arg6 : memref<400x64xf32, #tpu.memory_space<vmem>>) offsets(%dma_start3A_127 : memref<400xi32, #tpu.memory_space<vmem>>) semaphore(%arg8 : memref<!tpu.dma_semaphore, #tpu.memory_space<semaphore_mem>>)
      } else {
      }
      %dma_wait3A_74 = arith.constant 0 : i32
      %dma_wait3A_75 = tpu.memref_slice %arg5[%add3A_66, %dma_wait3A_74] : memref<64x400xi32, #tpu.memory_space<vmem>> -> memref<1x400xi32, #tpu.memory_space<vmem>>
      %dma_wait3A_76 = tpu.memref_squeeze %dma_wait3A_75 : memref<1x400xi32, #tpu.memory_space<vmem>> -> memref<400xi32, #tpu.memory_space<vmem>>
      %dma_wait3A_77 = arith.constant 0 : i32
      %dma_wait3A_78 = arith.constant 0 : i32
      %dma_wait3A_79 = tpu.memref_slice %arg3[%dma_wait3A_77, %dma_wait3A_78] : memref<1000000x64xf32, #tpu.memory_space<hbm>> -> memref<1000000x64xf32, #tpu.memory_space<hbm>>
      tpu.wait_indirect_dma semaphore(%arg9 : memref<!tpu.dma_semaphore, #tpu.memory_space<semaphore_mem>>) src(%dma_wait3A_79 : memref<1000000x64xf32, #tpu.memory_space<hbm>>) dst(%arg7 : memref<400x64xf32, #tpu.memory_space<vmem>>)
      %mul3A_80 = arith.constant 400 : i32
      %mul3A_81 = arith.muli %add3A_66, %mul3A_80 : i32
      %add3A_82 = arith.addi %mul3A_2, %mul3A_81 : i32
      %jit3A_83 = arith.constant 50 : i32
      %div3A_84 = arith.divsi %add3A_82, %jit3A_83 : i32
      %sign3A_85 = arith.constant 0 : i32
      %sign3A_86 = arith.cmpi sgt, %add3A_82, %sign3A_85 : i32
      %sign3A_87 = arith.extui %sign3A_86 : i1 to i32
      %sign3A_88 = arith.constant 0 : i32
      %sign3A_89 = arith.cmpi slt, %add3A_82, %sign3A_88 : i32
      %sign3A_90 = arith.extui %sign3A_89 : i1 to i32
      %sign3A_91 = arith.subi %sign3A_87, %sign3A_90 : i32
      %sign3A_92 = arith.constant 0 : i32
      %sign3A_93 = arith.cmpi sgt, %jit3A_83, %sign3A_92 : i32
      %sign3A_94 = arith.extui %sign3A_93 : i1 to i32
      %sign3A_95 = arith.constant 0 : i32
      %sign3A_96 = arith.cmpi slt, %jit3A_83, %sign3A_95 : i32
      %sign3A_97 = arith.extui %sign3A_96 : i1 to i32
      %sign3A_98 = arith.subi %sign3A_94, %sign3A_97 : i32
      %ne3A_99 = arith.cmpi ne, %sign3A_91, %sign3A_98 : i32
      %rem3A_100 = arith.remsi %add3A_82, %jit3A_83 : i32
      %ne3A_101 = arith.constant 0 : i32
      %ne3A_102 = arith.cmpi ne, %rem3A_100, %ne3A_101 : i32
      %and3A_103 = arith.andi %ne3A_99, %ne3A_102 : i1
      %sub3A_104 = arith.constant 1 : i32
      %sub3A_105 = arith.subi %div3A_84, %sub3A_104 : i32
      %select_n3A_106 = arith.select %and3A_103, %sub3A_105, %div3A_84 : i32
      %add3A_107 = arith.constant 0 : i32
      %add3A_108 = arith.addi %select_n3A_106, %add3A_107 : i32
      "tpu.region"() ({
        %run_scoped3A = tpu.sem_alloc : memref<!tpu.dma_semaphore, #tpu.memory_space<semaphore_mem>>
        %dma_start3A_123 = arith.constant 0 : i32
        %dma_start3A_124 = arith.constant 0 : i32
        %dma_start3A_125 = tpu.memref_slice %arg7[%dma_start3A_123, %dma_start3A_124] : memref<400x64xf32, #tpu.memory_space<vmem>> -> memref<50x64xf32, #tpu.memory_space<vmem>>
        %dma_start3A_126 = arith.constant 0 : i32
        %dma_start3A_127 = arith.constant 0 : i32
        %dma_start3A_128 = tpu.memref_slice %arg4[%add3A_108, %dma_start3A_126, %dma_start3A_127] : memref<16384x50x64xf32, #tpu.memory_space<hbm>> -> memref<1x50x64xf32, #tpu.memory_space<hbm>>
        %dma_start3A_129 = tpu.memref_squeeze %dma_start3A_128 : memref<1x50x64xf32, #tpu.memory_space<hbm>> -> memref<50x64xf32, #tpu.memory_space<hbm>>
        %dma_start3A_130 = arith.constant 0 : i32
        %dma_start3A_131 = arith.constant 0 : i32
        %dma_start3A_132 = tpu.memref_slice %arg4[%add3A_108, %dma_start3A_130, %dma_start3A_131] : memref<16384x50x64xf32, #tpu.memory_space<hbm>> -> memref<1x50x64xf32, #tpu.memory_space<hbm>>
        %dma_start3A_133 = tpu.memref_squeeze %dma_start3A_132 : memref<1x50x64xf32, #tpu.memory_space<hbm>> -> memref<50x64xf32, #tpu.memory_space<hbm>>
        %dma_start3A_134 = arith.constant 0 : i32
        %dma_start3A_135 = arith.constant 0 : i32
        %dma_start3A_136 = tpu.memref_slice %arg7[%dma_start3A_134, %dma_start3A_135] : memref<400x64xf32, #tpu.memory_space<vmem>> -> memref<50x64xf32, #tpu.memory_space<vmem>>
        tpu.enqueue_dma source(%dma_start3A_136 : memref<50x64xf32, #tpu.memory_space<vmem>>) target(%dma_start3A_133 : memref<50x64xf32, #tpu.memory_space<hbm>>) target_semaphore(%run_scoped3A : memref<!tpu.dma_semaphore, #tpu.memory_space<semaphore_mem>>)
        %dma_wait3A_137 = arith.constant 0 : i32
        %dma_wait3A_138 = arith.constant 0 : i32
        %dma_wait3A_139 = tpu.memref_slice %arg7[%dma_wait3A_137, %dma_wait3A_138] : memref<400x64xf32, #tpu.memory_space<vmem>> -> memref<50x64xf32, #tpu.memory_space<vmem>>
        %dma_wait3A_140 = arith.constant 0 : i32
        %dma_wait3A_141 = arith.constant 0 : i32
        %dma_wait3A_142 = tpu.memref_slice %arg4[%add3A_108, %dma_wait3A_140, %dma_wait3A_141] : memref<16384x50x64xf32, #tpu.memory_space<hbm>> -> memref<1x50x64xf32, #tpu.memory_space<hbm>>
        %dma_wait3A_143 = tpu.memref_squeeze %dma_wait3A_142 : memref<1x50x64xf32, #tpu.memory_space<hbm>> -> memref<50x64xf32, #tpu.memory_space<hbm>>
        %dma_wait3A_144 = arith.constant 0 : i32
        %dma_wait3A_145 = arith.constant 0 : i32
        %dma_wait3A_146 = tpu.memref_slice %arg4[%add3A_108, %dma_wait3A_144, %dma_wait3A_145] : memref<16384x50x64xf32, #tpu.memory_space<hbm>> -> memref<1x50x64xf32, #tpu.memory_space<hbm>>
        %dma_wait3A_147 = tpu.memref_squeeze %dma_wait3A_146 : memref<1x50x64xf32, #tpu.memory_space<hbm>> -> memref<50x64xf32, #tpu.memory_space<hbm>>
        %dma_wait3A_148 = arith.constant 0 : i32
        %dma_wait3A_149 = arith.constant 0 : i32
        %dma_wait3A_150 = tpu.memref_slice %arg7[%dma_wait3A_148, %dma_wait3A_149] : memref<400x64xf32, #tpu.memory_space<vmem>> -> memref<50x64xf32, #tpu.memory_space<vmem>>
        tpu.wait_dma2 semaphore(%run_scoped3A : memref<!tpu.dma_semaphore, #tpu.memory_space<semaphore_mem>>) src(%dma_wait3A_150 : memref<50x64xf32, #tpu.memory_space<vmem>>) dst(%dma_wait3A_147 : memref<50x64xf32, #tpu.memory_space<hbm>>)
        tpu.yield
      }) : () -> ()
      %add3A_109 = arith.constant 1 : i32
      %add3A_110 = arith.addi %select_n3A_106, %add3A_109 : i32
      "tpu.region"() ({
        %run_scoped3A = tpu.sem_alloc : memref<!tpu.dma_semaphore, #tpu.memory_space<semaphore_mem>>
        %dma_start3A_123 = arith.constant 50 : i32
        %dma_start3A_124 = arith.constant 0 : i32
        %dma_start3A_125 = tpu.memref_slice %arg7[%dma_start3A_123, %dma_start3A_124] : memref<400x64xf32, #tpu.memory_space<vmem>> -> memref<50x64xf32, #tpu.memory_space<vmem>>
        %dma_start3A_126 = arith.constant 0 : i32
        %dma_start3A_127 = arith.constant 0 : i32
        %dma_start3A_128 = tpu.memref_slice %arg4[%add3A_110, %dma_start3A_126, %dma_start3A_127] : memref<16384x50x64xf32, #tpu.memory_space<hbm>> -> memref<1x50x64xf32, #tpu.memory_space<hbm>>
        %dma_start3A_129 = tpu.memref_squeeze %dma_start3A_128 : memref<1x50x64xf32, #tpu.memory_space<hbm>> -> memref<50x64xf32, #tpu.memory_space<hbm>>
        %dma_start3A_130 = arith.constant 0 : i32
        %dma_start3A_131 = arith.constant 0 : i32
        %dma_start3A_132 = tpu.memref_slice %arg4[%add3A_110, %dma_start3A_130, %dma_start3A_131] : memref<16384x50x64xf32, #tpu.memory_space<hbm>> -> memref<1x50x64xf32, #tpu.memory_space<hbm>>
        %dma_start3A_133 = tpu.memref_squeeze %dma_start3A_132 : memref<1x50x64xf32, #tpu.memory_space<hbm>> -> memref<50x64xf32, #tpu.memory_space<hbm>>
        %dma_start3A_134 = arith.constant 50 : i32
        %dma_start3A_135 = arith.constant 0 : i32
        %dma_start3A_136 = tpu.memref_slice %arg7[%dma_start3A_134, %dma_start3A_135] : memref<400x64xf32, #tpu.memory_space<vmem>> -> memref<50x64xf32, #tpu.memory_space<vmem>>
        tpu.enqueue_dma source(%dma_start3A_136 : memref<50x64xf32, #tpu.memory_space<vmem>>) target(%dma_start3A_133 : memref<50x64xf32, #tpu.memory_space<hbm>>) target_semaphore(%run_scoped3A : memref<!tpu.dma_semaphore, #tpu.memory_space<semaphore_mem>>)
        %dma_wait3A_137 = arith.constant 50 : i32
        %dma_wait3A_138 = arith.constant 0 : i32
        %dma_wait3A_139 = tpu.memref_slice %arg7[%dma_wait3A_137, %dma_wait3A_138] : memref<400x64xf32, #tpu.memory_space<vmem>> -> memref<50x64xf32, #tpu.memory_space<vmem>>
        %dma_wait3A_140 = arith.constant 0 : i32
        %dma_wait3A_141 = arith.constant 0 : i32
        %dma_wait3A_142 = tpu.memref_slice %arg4[%add3A_110, %dma_wait3A_140, %dma_wait3A_141] : memref<16384x50x64xf32, #tpu.memory_space<hbm>> -> memref<1x50x64xf32, #tpu.memory_space<hbm>>
        %dma_wait3A_143 = tpu.memref_squeeze %dma_wait3A_142 : memref<1x50x64xf32, #tpu.memory_space<hbm>> -> memref<50x64xf32, #tpu.memory_space<hbm>>
        %dma_wait3A_144 = arith.constant 0 : i32
        %dma_wait3A_145 = arith.constant 0 : i32
        %dma_wait3A_146 = tpu.memref_slice %arg4[%add3A_110, %dma_wait3A_144, %dma_wait3A_145] : memref<16384x50x64xf32, #tpu.memory_space<hbm>> -> memref<1x50x64xf32, #tpu.memory_space<hbm>>
        %dma_wait3A_147 = tpu.memref_squeeze %dma_wait3A_146 : memref<1x50x64xf32, #tpu.memory_space<hbm>> -> memref<50x64xf32, #tpu.memory_space<hbm>>
        %dma_wait3A_148 = arith.constant 50 : i32
        %dma_wait3A_149 = arith.constant 0 : i32
        %dma_wait3A_150 = tpu.memref_slice %arg7[%dma_wait3A_148, %dma_wait3A_149] : memref<400x64xf32, #tpu.memory_space<vmem>> -> memref<50x64xf32, #tpu.memory_space<vmem>>
        tpu.wait_dma2 semaphore(%run_scoped3A : memref<!tpu.dma_semaphore, #tpu.memory_space<semaphore_mem>>) src(%dma_wait3A_150 : memref<50x64xf32, #tpu.memory_space<vmem>>) dst(%dma_wait3A_147 : memref<50x64xf32, #tpu.memory_space<hbm>>)
        tpu.yield
      }) : () -> ()
      %add3A_111 = arith.constant 2 : i32
      %add3A_112 = arith.addi %select_n3A_106, %add3A_111 : i32
      "tpu.region"() ({
        %run_scoped3A = tpu.sem_alloc : memref<!tpu.dma_semaphore, #tpu.memory_space<semaphore_mem>>
        %dma_start3A_123 = arith.constant 100 : i32
        %dma_start3A_124 = arith.constant 0 : i32
        %dma_start3A_125 = tpu.memref_slice %arg7[%dma_start3A_123, %dma_start3A_124] : memref<400x64xf32, #tpu.memory_space<vmem>> -> memref<50x64xf32, #tpu.memory_space<vmem>>
        %dma_start3A_126 = arith.constant 0 : i32
        %dma_start3A_127 = arith.constant 0 : i32
        %dma_start3A_128 = tpu.memref_slice %arg4[%add3A_112, %dma_start3A_126, %dma_start3A_127] : memref<16384x50x64xf32, #tpu.memory_space<hbm>> -> memref<1x50x64xf32, #tpu.memory_space<hbm>>
        %dma_start3A_129 = tpu.memref_squeeze %dma_start3A_128 : memref<1x50x64xf32, #tpu.memory_space<hbm>> -> memref<50x64xf32, #tpu.memory_space<hbm>>
        %dma_start3A_130 = arith.constant 0 : i32
        %dma_start3A_131 = arith.constant 0 : i32
        %dma_start3A_132 = tpu.memref_slice %arg4[%add3A_112, %dma_start3A_130, %dma_start3A_131] : memref<16384x50x64xf32, #tpu.memory_space<hbm>> -> memref<1x50x64xf32, #tpu.memory_space<hbm>>
        %dma_start3A_133 = tpu.memref_squeeze %dma_start3A_132 : memref<1x50x64xf32, #tpu.memory_space<hbm>> -> memref<50x64xf32, #tpu.memory_space<hbm>>
        %dma_start3A_134 = arith.constant 100 : i32
        %dma_start3A_135 = arith.constant 0 : i32
        %dma_start3A_136 = tpu.memref_slice %arg7[%dma_start3A_134, %dma_start3A_135] : memref<400x64xf32, #tpu.memory_space<vmem>> -> memref<50x64xf32, #tpu.memory_space<vmem>>
        tpu.enqueue_dma source(%dma_start3A_136 : memref<50x64xf32, #tpu.memory_space<vmem>>) target(%dma_start3A_133 : memref<50x64xf32, #tpu.memory_space<hbm>>) target_semaphore(%run_scoped3A : memref<!tpu.dma_semaphore, #tpu.memory_space<semaphore_mem>>)
        %dma_wait3A_137 = arith.constant 100 : i32
        %dma_wait3A_138 = arith.constant 0 : i32
        %dma_wait3A_139 = tpu.memref_slice %arg7[%dma_wait3A_137, %dma_wait3A_138] : memref<400x64xf32, #tpu.memory_space<vmem>> -> memref<50x64xf32, #tpu.memory_space<vmem>>
        %dma_wait3A_140 = arith.constant 0 : i32
        %dma_wait3A_141 = arith.constant 0 : i32
        %dma_wait3A_142 = tpu.memref_slice %arg4[%add3A_112, %dma_wait3A_140, %dma_wait3A_141] : memref<16384x50x64xf32, #tpu.memory_space<hbm>> -> memref<1x50x64xf32, #tpu.memory_space<hbm>>
        %dma_wait3A_143 = tpu.memref_squeeze %dma_wait3A_142 : memref<1x50x64xf32, #tpu.memory_space<hbm>> -> memref<50x64xf32, #tpu.memory_space<hbm>>
        %dma_wait3A_144 = arith.constant 0 : i32
        %dma_wait3A_145 = arith.constant 0 : i32
        %dma_wait3A_146 = tpu.memref_slice %arg4[%add3A_112, %dma_wait3A_144, %dma_wait3A_145] : memref<16384x50x64xf32, #tpu.memory_space<hbm>> -> memref<1x50x64xf32, #tpu.memory_space<hbm>>
        %dma_wait3A_147 = tpu.memref_squeeze %dma_wait3A_146 : memref<1x50x64xf32, #tpu.memory_space<hbm>> -> memref<50x64xf32, #tpu.memory_space<hbm>>
        %dma_wait3A_148 = arith.constant 100 : i32
        %dma_wait3A_149 = arith.constant 0 : i32
        %dma_wait3A_150 = tpu.memref_slice %arg7[%dma_wait3A_148, %dma_wait3A_149] : memref<400x64xf32, #tpu.memory_space<vmem>> -> memref<50x64xf32, #tpu.memory_space<vmem>>
        tpu.wait_dma2 semaphore(%run_scoped3A : memref<!tpu.dma_semaphore, #tpu.memory_space<semaphore_mem>>) src(%dma_wait3A_150 : memref<50x64xf32, #tpu.memory_space<vmem>>) dst(%dma_wait3A_147 : memref<50x64xf32, #tpu.memory_space<hbm>>)
        tpu.yield
      }) : () -> ()
      %add3A_113 = arith.constant 3 : i32
      %add3A_114 = arith.addi %select_n3A_106, %add3A_113 : i32
      "tpu.region"() ({
        %run_scoped3A = tpu.sem_alloc : memref<!tpu.dma_semaphore, #tpu.memory_space<semaphore_mem>>
        %dma_start3A_123 = arith.constant 150 : i32
        %dma_start3A_124 = arith.constant 0 : i32
        %dma_start3A_125 = tpu.memref_slice %arg7[%dma_start3A_123, %dma_start3A_124] : memref<400x64xf32, #tpu.memory_space<vmem>> -> memref<50x64xf32, #tpu.memory_space<vmem>>
        %dma_start3A_126 = arith.constant 0 : i32
        %dma_start3A_127 = arith.constant 0 : i32
        %dma_start3A_128 = tpu.memref_slice %arg4[%add3A_114, %dma_start3A_126, %dma_start3A_127] : memref<16384x50x64xf32, #tpu.memory_space<hbm>> -> memref<1x50x64xf32, #tpu.memory_space<hbm>>
        %dma_start3A_129 = tpu.memref_squeeze %dma_start3A_128 : memref<1x50x64xf32, #tpu.memory_space<hbm>> -> memref<50x64xf32, #tpu.memory_space<hbm>>
        %dma_start3A_130 = arith.constant 0 : i32
        %dma_start3A_131 = arith.constant 0 : i32
        %dma_start3A_132 = tpu.memref_slice %arg4[%add3A_114, %dma_start3A_130, %dma_start3A_131] : memref<16384x50x64xf32, #tpu.memory_space<hbm>> -> memref<1x50x64xf32, #tpu.memory_space<hbm>>
        %dma_start3A_133 = tpu.memref_squeeze %dma_start3A_132 : memref<1x50x64xf32, #tpu.memory_space<hbm>> -> memref<50x64xf32, #tpu.memory_space<hbm>>
        %dma_start3A_134 = arith.constant 150 : i32
        %dma_start3A_135 = arith.constant 0 : i32
        %dma_start3A_136 = tpu.memref_slice %arg7[%dma_start3A_134, %dma_start3A_135] : memref<400x64xf32, #tpu.memory_space<vmem>> -> memref<50x64xf32, #tpu.memory_space<vmem>>
        tpu.enqueue_dma source(%dma_start3A_136 : memref<50x64xf32, #tpu.memory_space<vmem>>) target(%dma_start3A_133 : memref<50x64xf32, #tpu.memory_space<hbm>>) target_semaphore(%run_scoped3A : memref<!tpu.dma_semaphore, #tpu.memory_space<semaphore_mem>>)
        %dma_wait3A_137 = arith.constant 150 : i32
        %dma_wait3A_138 = arith.constant 0 : i32
        %dma_wait3A_139 = tpu.memref_slice %arg7[%dma_wait3A_137, %dma_wait3A_138] : memref<400x64xf32, #tpu.memory_space<vmem>> -> memref<50x64xf32, #tpu.memory_space<vmem>>
        %dma_wait3A_140 = arith.constant 0 : i32
        %dma_wait3A_141 = arith.constant 0 : i32
        %dma_wait3A_142 = tpu.memref_slice %arg4[%add3A_114, %dma_wait3A_140, %dma_wait3A_141] : memref<16384x50x64xf32, #tpu.memory_space<hbm>> -> memref<1x50x64xf32, #tpu.memory_space<hbm>>
        %dma_wait3A_143 = tpu.memref_squeeze %dma_wait3A_142 : memref<1x50x64xf32, #tpu.memory_space<hbm>> -> memref<50x64xf32, #tpu.memory_space<hbm>>
        %dma_wait3A_144 = arith.constant 0 : i32
        %dma_wait3A_145 = arith.constant 0 : i32
        %dma_wait3A_146 = tpu.memref_slice %arg4[%add3A_114, %dma_wait3A_144, %dma_wait3A_145] : memref<16384x50x64xf32, #tpu.memory_space<hbm>> -> memref<1x50x64xf32, #tpu.memory_space<hbm>>
        %dma_wait3A_147 = tpu.memref_squeeze %dma_wait3A_146 : memref<1x50x64xf32, #tpu.memory_space<hbm>> -> memref<50x64xf32, #tpu.memory_space<hbm>>
        %dma_wait3A_148 = arith.constant 150 : i32
        %dma_wait3A_149 = arith.constant 0 : i32
        %dma_wait3A_150 = tpu.memref_slice %arg7[%dma_wait3A_148, %dma_wait3A_149] : memref<400x64xf32, #tpu.memory_space<vmem>> -> memref<50x64xf32, #tpu.memory_space<vmem>>
        tpu.wait_dma2 semaphore(%run_scoped3A : memref<!tpu.dma_semaphore, #tpu.memory_space<semaphore_mem>>) src(%dma_wait3A_150 : memref<50x64xf32, #tpu.memory_space<vmem>>) dst(%dma_wait3A_147 : memref<50x64xf32, #tpu.memory_space<hbm>>)
        tpu.yield
      }) : () -> ()
      %add3A_115 = arith.constant 4 : i32
      %add3A_116 = arith.addi %select_n3A_106, %add3A_115 : i32
      "tpu.region"() ({
        %run_scoped3A = tpu.sem_alloc : memref<!tpu.dma_semaphore, #tpu.memory_space<semaphore_mem>>
        %dma_start3A_123 = arith.constant 200 : i32
        %dma_start3A_124 = arith.constant 0 : i32
        %dma_start3A_125 = tpu.memref_slice %arg7[%dma_start3A_123, %dma_start3A_124] : memref<400x64xf32, #tpu.memory_space<vmem>> -> memref<50x64xf32, #tpu.memory_space<vmem>>
        %dma_start3A_126 = arith.constant 0 : i32
        %dma_start3A_127 = arith.constant 0 : i32
        %dma_start3A_128 = tpu.memref_slice %arg4[%add3A_116, %dma_start3A_126, %dma_start3A_127] : memref<16384x50x64xf32, #tpu.memory_space<hbm>> -> memref<1x50x64xf32, #tpu.memory_space<hbm>>
        %dma_start3A_129 = tpu.memref_squeeze %dma_start3A_128 : memref<1x50x64xf32, #tpu.memory_space<hbm>> -> memref<50x64xf32, #tpu.memory_space<hbm>>
        %dma_start3A_130 = arith.constant 0 : i32
        %dma_start3A_131 = arith.constant 0 : i32
        %dma_start3A_132 = tpu.memref_slice %arg4[%add3A_116, %dma_start3A_130, %dma_start3A_131] : memref<16384x50x64xf32, #tpu.memory_space<hbm>> -> memref<1x50x64xf32, #tpu.memory_space<hbm>>
        %dma_start3A_133 = tpu.memref_squeeze %dma_start3A_132 : memref<1x50x64xf32, #tpu.memory_space<hbm>> -> memref<50x64xf32, #tpu.memory_space<hbm>>
        %dma_start3A_134 = arith.constant 200 : i32
        %dma_start3A_135 = arith.constant 0 : i32
        %dma_start3A_136 = tpu.memref_slice %arg7[%dma_start3A_134, %dma_start3A_135] : memref<400x64xf32, #tpu.memory_space<vmem>> -> memref<50x64xf32, #tpu.memory_space<vmem>>
        tpu.enqueue_dma source(%dma_start3A_136 : memref<50x64xf32, #tpu.memory_space<vmem>>) target(%dma_start3A_133 : memref<50x64xf32, #tpu.memory_space<hbm>>) target_semaphore(%run_scoped3A : memref<!tpu.dma_semaphore, #tpu.memory_space<semaphore_mem>>)
        %dma_wait3A_137 = arith.constant 200 : i32
        %dma_wait3A_138 = arith.constant 0 : i32
        %dma_wait3A_139 = tpu.memref_slice %arg7[%dma_wait3A_137, %dma_wait3A_138] : memref<400x64xf32, #tpu.memory_space<vmem>> -> memref<50x64xf32, #tpu.memory_space<vmem>>
        %dma_wait3A_140 = arith.constant 0 : i32
        %dma_wait3A_141 = arith.constant 0 : i32
        %dma_wait3A_142 = tpu.memref_slice %arg4[%add3A_116, %dma_wait3A_140, %dma_wait3A_141] : memref<16384x50x64xf32, #tpu.memory_space<hbm>> -> memref<1x50x64xf32, #tpu.memory_space<hbm>>
        %dma_wait3A_143 = tpu.memref_squeeze %dma_wait3A_142 : memref<1x50x64xf32, #tpu.memory_space<hbm>> -> memref<50x64xf32, #tpu.memory_space<hbm>>
        %dma_wait3A_144 = arith.constant 0 : i32
        %dma_wait3A_145 = arith.constant 0 : i32
        %dma_wait3A_146 = tpu.memref_slice %arg4[%add3A_116, %dma_wait3A_144, %dma_wait3A_145] : memref<16384x50x64xf32, #tpu.memory_space<hbm>> -> memref<1x50x64xf32, #tpu.memory_space<hbm>>
        %dma_wait3A_147 = tpu.memref_squeeze %dma_wait3A_146 : memref<1x50x64xf32, #tpu.memory_space<hbm>> -> memref<50x64xf32, #tpu.memory_space<hbm>>
        %dma_wait3A_148 = arith.constant 200 : i32
        %dma_wait3A_149 = arith.constant 0 : i32
        %dma_wait3A_150 = tpu.memref_slice %arg7[%dma_wait3A_148, %dma_wait3A_149] : memref<400x64xf32, #tpu.memory_space<vmem>> -> memref<50x64xf32, #tpu.memory_space<vmem>>
        tpu.wait_dma2 semaphore(%run_scoped3A : memref<!tpu.dma_semaphore, #tpu.memory_space<semaphore_mem>>) src(%dma_wait3A_150 : memref<50x64xf32, #tpu.memory_space<vmem>>) dst(%dma_wait3A_147 : memref<50x64xf32, #tpu.memory_space<hbm>>)
        tpu.yield
      }) : () -> ()
      %add3A_117 = arith.constant 5 : i32
      %add3A_118 = arith.addi %select_n3A_106, %add3A_117 : i32
      "tpu.region"() ({
        %run_scoped3A = tpu.sem_alloc : memref<!tpu.dma_semaphore, #tpu.memory_space<semaphore_mem>>
        %dma_start3A_123 = arith.constant 250 : i32
        %dma_start3A_124 = arith.constant 0 : i32
        %dma_start3A_125 = tpu.memref_slice %arg7[%dma_start3A_123, %dma_start3A_124] : memref<400x64xf32, #tpu.memory_space<vmem>> -> memref<50x64xf32, #tpu.memory_space<vmem>>
        %dma_start3A_126 = arith.constant 0 : i32
        %dma_start3A_127 = arith.constant 0 : i32
        %dma_start3A_128 = tpu.memref_slice %arg4[%add3A_118, %dma_start3A_126, %dma_start3A_127] : memref<16384x50x64xf32, #tpu.memory_space<hbm>> -> memref<1x50x64xf32, #tpu.memory_space<hbm>>
        %dma_start3A_129 = tpu.memref_squeeze %dma_start3A_128 : memref<1x50x64xf32, #tpu.memory_space<hbm>> -> memref<50x64xf32, #tpu.memory_space<hbm>>
        %dma_start3A_130 = arith.constant 0 : i32
        %dma_start3A_131 = arith.constant 0 : i32
        %dma_start3A_132 = tpu.memref_slice %arg4[%add3A_118, %dma_start3A_130, %dma_start3A_131] : memref<16384x50x64xf32, #tpu.memory_space<hbm>> -> memref<1x50x64xf32, #tpu.memory_space<hbm>>
        %dma_start3A_133 = tpu.memref_squeeze %dma_start3A_132 : memref<1x50x64xf32, #tpu.memory_space<hbm>> -> memref<50x64xf32, #tpu.memory_space<hbm>>
        %dma_start3A_134 = arith.constant 250 : i32
        %dma_start3A_135 = arith.constant 0 : i32
        %dma_start3A_136 = tpu.memref_slice %arg7[%dma_start3A_134, %dma_start3A_135] : memref<400x64xf32, #tpu.memory_space<vmem>> -> memref<50x64xf32, #tpu.memory_space<vmem>>
        tpu.enqueue_dma source(%dma_start3A_136 : memref<50x64xf32, #tpu.memory_space<vmem>>) target(%dma_start3A_133 : memref<50x64xf32, #tpu.memory_space<hbm>>) target_semaphore(%run_scoped3A : memref<!tpu.dma_semaphore, #tpu.memory_space<semaphore_mem>>)
        %dma_wait3A_137 = arith.constant 250 : i32
        %dma_wait3A_138 = arith.constant 0 : i32
        %dma_wait3A_139 = tpu.memref_slice %arg7[%dma_wait3A_137, %dma_wait3A_138] : memref<400x64xf32, #tpu.memory_space<vmem>> -> memref<50x64xf32, #tpu.memory_space<vmem>>
        %dma_wait3A_140 = arith.constant 0 : i32
        %dma_wait3A_141 = arith.constant 0 : i32
        %dma_wait3A_142 = tpu.memref_slice %arg4[%add3A_118, %dma_wait3A_140, %dma_wait3A_141] : memref<16384x50x64xf32, #tpu.memory_space<hbm>> -> memref<1x50x64xf32, #tpu.memory_space<hbm>>
        %dma_wait3A_143 = tpu.memref_squeeze %dma_wait3A_142 : memref<1x50x64xf32, #tpu.memory_space<hbm>> -> memref<50x64xf32, #tpu.memory_space<hbm>>
        %dma_wait3A_144 = arith.constant 0 : i32
        %dma_wait3A_145 = arith.constant 0 : i32
        %dma_wait3A_146 = tpu.memref_slice %arg4[%add3A_118, %dma_wait3A_144, %dma_wait3A_145] : memref<16384x50x64xf32, #tpu.memory_space<hbm>> -> memref<1x50x64xf32, #tpu.memory_space<hbm>>
        %dma_wait3A_147 = tpu.memref_squeeze %dma_wait3A_146 : memref<1x50x64xf32, #tpu.memory_space<hbm>> -> memref<50x64xf32, #tpu.memory_space<hbm>>
        %dma_wait3A_148 = arith.constant 250 : i32
        %dma_wait3A_149 = arith.constant 0 : i32
        %dma_wait3A_150 = tpu.memref_slice %arg7[%dma_wait3A_148, %dma_wait3A_149] : memref<400x64xf32, #tpu.memory_space<vmem>> -> memref<50x64xf32, #tpu.memory_space<vmem>>
        tpu.wait_dma2 semaphore(%run_scoped3A : memref<!tpu.dma_semaphore, #tpu.memory_space<semaphore_mem>>) src(%dma_wait3A_150 : memref<50x64xf32, #tpu.memory_space<vmem>>) dst(%dma_wait3A_147 : memref<50x64xf32, #tpu.memory_space<hbm>>)
        tpu.yield
      }) : () -> ()
      %add3A_119 = arith.constant 6 : i32
      %add3A_120 = arith.addi %select_n3A_106, %add3A_119 : i32
      "tpu.region"() ({
        %run_scoped3A = tpu.sem_alloc : memref<!tpu.dma_semaphore, #tpu.memory_space<semaphore_mem>>
        %dma_start3A_123 = arith.constant 300 : i32
        %dma_start3A_124 = arith.constant 0 : i32
        %dma_start3A_125 = tpu.memref_slice %arg7[%dma_start3A_123, %dma_start3A_124] : memref<400x64xf32, #tpu.memory_space<vmem>> -> memref<50x64xf32, #tpu.memory_space<vmem>>
        %dma_start3A_126 = arith.constant 0 : i32
        %dma_start3A_127 = arith.constant 0 : i32
        %dma_start3A_128 = tpu.memref_slice %arg4[%add3A_120, %dma_start3A_126, %dma_start3A_127] : memref<16384x50x64xf32, #tpu.memory_space<hbm>> -> memref<1x50x64xf32, #tpu.memory_space<hbm>>
        %dma_start3A_129 = tpu.memref_squeeze %dma_start3A_128 : memref<1x50x64xf32, #tpu.memory_space<hbm>> -> memref<50x64xf32, #tpu.memory_space<hbm>>
        %dma_start3A_130 = arith.constant 0 : i32
        %dma_start3A_131 = arith.constant 0 : i32
        %dma_start3A_132 = tpu.memref_slice %arg4[%add3A_120, %dma_start3A_130, %dma_start3A_131] : memref<16384x50x64xf32, #tpu.memory_space<hbm>> -> memref<1x50x64xf32, #tpu.memory_space<hbm>>
        %dma_start3A_133 = tpu.memref_squeeze %dma_start3A_132 : memref<1x50x64xf32, #tpu.memory_space<hbm>> -> memref<50x64xf32, #tpu.memory_space<hbm>>
        %dma_start3A_134 = arith.constant 300 : i32
        %dma_start3A_135 = arith.constant 0 : i32
        %dma_start3A_136 = tpu.memref_slice %arg7[%dma_start3A_134, %dma_start3A_135] : memref<400x64xf32, #tpu.memory_space<vmem>> -> memref<50x64xf32, #tpu.memory_space<vmem>>
        tpu.enqueue_dma source(%dma_start3A_136 : memref<50x64xf32, #tpu.memory_space<vmem>>) target(%dma_start3A_133 : memref<50x64xf32, #tpu.memory_space<hbm>>) target_semaphore(%run_scoped3A : memref<!tpu.dma_semaphore, #tpu.memory_space<semaphore_mem>>)
        %dma_wait3A_137 = arith.constant 300 : i32
        %dma_wait3A_138 = arith.constant 0 : i32
        %dma_wait3A_139 = tpu.memref_slice %arg7[%dma_wait3A_137, %dma_wait3A_138] : memref<400x64xf32, #tpu.memory_space<vmem>> -> memref<50x64xf32, #tpu.memory_space<vmem>>
        %dma_wait3A_140 = arith.constant 0 : i32
        %dma_wait3A_141 = arith.constant 0 : i32
        %dma_wait3A_142 = tpu.memref_slice %arg4[%add3A_120, %dma_wait3A_140, %dma_wait3A_141] : memref<16384x50x64xf32, #tpu.memory_space<hbm>> -> memref<1x50x64xf32, #tpu.memory_space<hbm>>
        %dma_wait3A_143 = tpu.memref_squeeze %dma_wait3A_142 : memref<1x50x64xf32, #tpu.memory_space<hbm>> -> memref<50x64xf32, #tpu.memory_space<hbm>>
        %dma_wait3A_144 = arith.constant 0 : i32
        %dma_wait3A_145 = arith.constant 0 : i32
        %dma_wait3A_146 = tpu.memref_slice %arg4[%add3A_120, %dma_wait3A_144, %dma_wait3A_145] : memref<16384x50x64xf32, #tpu.memory_space<hbm>> -> memref<1x50x64xf32, #tpu.memory_space<hbm>>
        %dma_wait3A_147 = tpu.memref_squeeze %dma_wait3A_146 : memref<1x50x64xf32, #tpu.memory_space<hbm>> -> memref<50x64xf32, #tpu.memory_space<hbm>>
        %dma_wait3A_148 = arith.constant 300 : i32
        %dma_wait3A_149 = arith.constant 0 : i32
        %dma_wait3A_150 = tpu.memref_slice %arg7[%dma_wait3A_148, %dma_wait3A_149] : memref<400x64xf32, #tpu.memory_space<vmem>> -> memref<50x64xf32, #tpu.memory_space<vmem>>
        tpu.wait_dma2 semaphore(%run_scoped3A : memref<!tpu.dma_semaphore, #tpu.memory_space<semaphore_mem>>) src(%dma_wait3A_150 : memref<50x64xf32, #tpu.memory_space<vmem>>) dst(%dma_wait3A_147 : memref<50x64xf32, #tpu.memory_space<hbm>>)
        tpu.yield
      }) : () -> ()
      %add3A_121 = arith.constant 7 : i32
      %add3A_122 = arith.addi %select_n3A_106, %add3A_121 : i32
      "tpu.region"() ({
        %run_scoped3A = tpu.sem_alloc : memref<!tpu.dma_semaphore, #tpu.memory_space<semaphore_mem>>
        %dma_start3A_123 = arith.constant 350 : i32
        %dma_start3A_124 = arith.constant 0 : i32
        %dma_start3A_125 = tpu.memref_slice %arg7[%dma_start3A_123, %dma_start3A_124] : memref<400x64xf32, #tpu.memory_space<vmem>> -> memref<50x64xf32, #tpu.memory_space<vmem>>
        %dma_start3A_126 = arith.constant 0 : i32
        %dma_start3A_127 = arith.constant 0 : i32
        %dma_start3A_128 = tpu.memref_slice %arg4[%add3A_122, %dma_start3A_126, %dma_start3A_127] : memref<16384x50x64xf32, #tpu.memory_space<hbm>> -> memref<1x50x64xf32, #tpu.memory_space<hbm>>
        %dma_start3A_129 = tpu.memref_squeeze %dma_start3A_128 : memref<1x50x64xf32, #tpu.memory_space<hbm>> -> memref<50x64xf32, #tpu.memory_space<hbm>>
        %dma_start3A_130 = arith.constant 0 : i32
        %dma_start3A_131 = arith.constant 0 : i32
        %dma_start3A_132 = tpu.memref_slice %arg4[%add3A_122, %dma_start3A_130, %dma_start3A_131] : memref<16384x50x64xf32, #tpu.memory_space<hbm>> -> memref<1x50x64xf32, #tpu.memory_space<hbm>>
        %dma_start3A_133 = tpu.memref_squeeze %dma_start3A_132 : memref<1x50x64xf32, #tpu.memory_space<hbm>> -> memref<50x64xf32, #tpu.memory_space<hbm>>
        %dma_start3A_134 = arith.constant 350 : i32
        %dma_start3A_135 = arith.constant 0 : i32
        %dma_start3A_136 = tpu.memref_slice %arg7[%dma_start3A_134, %dma_start3A_135] : memref<400x64xf32, #tpu.memory_space<vmem>> -> memref<50x64xf32, #tpu.memory_space<vmem>>
        tpu.enqueue_dma source(%dma_start3A_136 : memref<50x64xf32, #tpu.memory_space<vmem>>) target(%dma_start3A_133 : memref<50x64xf32, #tpu.memory_space<hbm>>) target_semaphore(%run_scoped3A : memref<!tpu.dma_semaphore, #tpu.memory_space<semaphore_mem>>)
        %dma_wait3A_137 = arith.constant 350 : i32
        %dma_wait3A_138 = arith.constant 0 : i32
        %dma_wait3A_139 = tpu.memref_slice %arg7[%dma_wait3A_137, %dma_wait3A_138] : memref<400x64xf32, #tpu.memory_space<vmem>> -> memref<50x64xf32, #tpu.memory_space<vmem>>
        %dma_wait3A_140 = arith.constant 0 : i32
        %dma_wait3A_141 = arith.constant 0 : i32
        %dma_wait3A_142 = tpu.memref_slice %arg4[%add3A_122, %dma_wait3A_140, %dma_wait3A_141] : memref<16384x50x64xf32, #tpu.memory_space<hbm>> -> memref<1x50x64xf32, #tpu.memory_space<hbm>>
        %dma_wait3A_143 = tpu.memref_squeeze %dma_wait3A_142 : memref<1x50x64xf32, #tpu.memory_space<hbm>> -> memref<50x64xf32, #tpu.memory_space<hbm>>
        %dma_wait3A_144 = arith.constant 0 : i32
        %dma_wait3A_145 = arith.constant 0 : i32
        %dma_wait3A_146 = tpu.memref_slice %arg4[%add3A_122, %dma_wait3A_144, %dma_wait3A_145] : memref<16384x50x64xf32, #tpu.memory_space<hbm>> -> memref<1x50x64xf32, #tpu.memory_space<hbm>>
        %dma_wait3A_147 = tpu.memref_squeeze %dma_wait3A_146 : memref<1x50x64xf32, #tpu.memory_space<hbm>> -> memref<50x64xf32, #tpu.memory_space<hbm>>
        %dma_wait3A_148 = arith.constant 350 : i32
        %dma_wait3A_149 = arith.constant 0 : i32
        %dma_wait3A_150 = tpu.memref_slice %arg7[%dma_wait3A_148, %dma_wait3A_149] : memref<400x64xf32, #tpu.memory_space<vmem>> -> memref<50x64xf32, #tpu.memory_space<vmem>>
        tpu.wait_dma2 semaphore(%run_scoped3A : memref<!tpu.dma_semaphore, #tpu.memory_space<semaphore_mem>>) src(%dma_wait3A_150 : memref<50x64xf32, #tpu.memory_space<vmem>>) dst(%dma_wait3A_147 : memref<50x64xf32, #tpu.memory_space<hbm>>)
        tpu.yield
      }) : () -> ()
    }
    %scan3A_13 = arith.constant 32 : i32
    return
  }
}

module attributes {stable_mosaic.version = 14 : i64} {
  func.func @body(%arg0: i32, %arg1: memref<64x8192xf32, #tpu.memory_space<vmem>>, %arg2: memref<4096x128xf32, #tpu.memory_space<vmem>>) attributes {dimension_semantics = [#tpu.dimension_semantics<arbitrary>], iteration_bounds = array<i64: 123>, scalar_prefetch = 0 : i64, scratch_operands = 0 : i64, tpu.core_type = #tpu.core_type<tc>, window_params = [{transform_indices = @transform_0, window_bounds = array<i64: 64, 8192>}, {transform_indices = @transform_1, window_bounds = array<i64: 4096, 128>}]} {
    %get3A = arith.constant 0 : index
    %get3A_0 = arith.constant 0 : index
    %get3A_1 = vector.load %arg1[%get3A, %get3A_0] : memref<64x8192xf32, #tpu.memory_space<vmem>>, vector<64x8192xf32>
    %iota3A = tpu.iota {dimensions = array<i32: 0>} : vector<64x64xi32>
    %iota3A_2 = tpu.iota {dimensions = array<i32: 1>} : vector<64x64xi32>
    %eq3A = arith.cmpi eq, %iota3A, %iota3A_2 : vector<64x64xi32>
    %convert_element_type3A = arith.extui %eq3A : vector<64x64xi1> to vector<64x64xi32>
    %convert_element_type3A_3 = arith.sitofp %convert_element_type3A : vector<64x64xi32> to vector<64x64xf32>
    %dot_general3A = arith.constant dense<0.000000e+00> : vector<8192x64xf32>
    %dot_general3A_4 = tpu.matmul %get3A_1, %convert_element_type3A_3, %dot_general3A {dimension_numbers = #tpu.dot_dimension_numbers<[0], [0], [1], [1], [0, 1, 1, 1], [], []>, transpose_lhs_hint = false} : vector<64x8192xf32>, vector<64x64xf32>, vector<8192x64xf32> -> vector<8192x64xf32>
    %slice3A = vector.extract_strided_slice %dot_general3A_4 {offsets = [0, 0], sizes = [4096, 64], strides = [1, 1]} : vector<8192x64xf32> to vector<4096x64xf32>
    %swap3A = arith.constant 0 : index
    %swap3A_5 = arith.constant 0 : index
    %swap3A_6 = vector.load %arg2[%swap3A, %swap3A_5] : memref<4096x128xf32, #tpu.memory_space<vmem>>, vector<4096x64xf32>
    tpu.vector_store %arg2[%swap3A, %swap3A_5], %slice3A {strides = array<i32>} : memref<4096x128xf32, #tpu.memory_space<vmem>>, vector<4096x64xf32>,
    %slice3A_7 = vector.extract_strided_slice %dot_general3A_4 {offsets = [4096, 0], sizes = [4096, 64], strides = [1, 1]} : vector<8192x64xf32> to vector<4096x64xf32>
    %swap3A_8 = arith.constant 0 : index
    %swap3A_9 = arith.constant 64 : index
    %swap3A_10 = vector.load %arg2[%swap3A_8, %swap3A_9] : memref<4096x128xf32, #tpu.memory_space<vmem>>, vector<4096x64xf32>
    tpu.vector_store %arg2[%swap3A_8, %swap3A_9], %slice3A_7 {strides = array<i32>} : memref<4096x128xf32, #tpu.memory_space<vmem>>, vector<4096x64xf32>,
    %eq3A_11 = arith.constant 122 : i32
    %eq3A_12 = arith.cmpi eq, %arg0, %eq3A_11 : i32
    %convert_element_type3A_13 = arith.extui %eq3A_12 : i1 to i32
    %cond3A = arith.constant 0 : i32
    %cond3A_14 = arith.cmpi ne, %convert_element_type3A_13, %cond3A : i32
    scf.if %cond3A_14 {
      %slice3A_15 = vector.extract_strided_slice %dot_general3A_4 {offsets = [288, 0], sizes = [4096, 64], strides = [1, 1]} : vector<8192x64xf32> to vector<4096x64xf32>
      %swap3A_16 = arith.constant 0 : index
      %swap3A_17 = arith.constant 64 : index
      %swap3A_18 = vector.load %arg2[%swap3A_16, %swap3A_17] : memref<4096x128xf32, #tpu.memory_space<vmem>>, vector<4096x64xf32>
      tpu.vector_store %arg2[%swap3A_16, %swap3A_17], %slice3A_15 {strides = array<i32>} : memref<4096x128xf32, #tpu.memory_space<vmem>>, vector<4096x64xf32>,
    } else {
    }
    return
  }
  func.func @transform_0(%arg0: i32) -> (i32, i32) {
    %c0_i32 = arith.constant 0 : i32
    %c0_i32_0 = arith.constant 0 : i32
    return %c0_i32, %arg0 : i32, i32
  }
  func.func @transform_1(%arg0: i32) -> (i32, i32) {
    %c0_i32 = arith.constant 0 : i32
    %c0_i32_0 = arith.constant 0 : i32
    return %arg0, %c0_i32 : i32, i32
  }
}

</mosaic_0001>

<sc_bundles>
// kernel: kernel.4.cloned.1.call-start
scs
__scs_entry_jumppad:
0x0: {  	(pc) =	sbr.rel $0x88, $3  }
0x1: {  	(tag) =	ssettag $0x0;
	lr =	simm.s32 $0x1  }
0x2: {  	[smem:$0x3F9F] =	sst lr;
	_ =	strace $0xD0000000  }
0x3: {  	_ = 	snop  }
0x4: {  	_ = 	snop  }
0x5: {  	_ = 	snop  }
0x6: {  	_ = 	snop  }
0x7: {  	_ = 	snop  }
__scs_overlays_trampoline_lowered:
0x8: {  	[smem:$0x3FAE] =	sst s0  }
0x9: {  	[smem:$0x3FAF] =	sst s1  }
0xa: {  	[smem:$0x3FB0] =	sst s2  }
0xb: {  	[smem:$0x3FB1] =	sst s3  }
0xc: {  	[smem:$0x3FB2] =	sst s4  }
0xd: {  	[smem:$0x3FB3] =	sst s5  }
0xe: {  	[smem:$0x3FB4] =	sst s6  }
0xf: {  	[smem:$0x3FB5] =	sst s7  }
0x10: {  	[smem:$0x3FB6] =	sst s8  }
0x11: {  	[smem:$0x3FB7] =	sst s9;
	s0 =	simm.s32 @!p0 $0x0  }
0x12: {  	s1 =	sld [smem:$0x3F9D];
	s0 =	simm.s32 @p0 $0x1  }
0x13: {  	[smem:$0x3FB8] =	sst s0;
	s0 =	simm.s32 @!p1 $0x0  }
0x14: {  	s2 =	sld [smem:$0x3F9C];
	s0 =	simm.s32 @p1 $0x1  }
0x15: {  	[smem:$0x3FB9] =	sst s0;
	s0 =	simm.s32 @!p2 $0x0  }
0x16: {  	s3 =	sld [smem:$0x3FDB];
	s0 =	simm.s32 @p2 $0x1  }
0x17: {  	s4 =	simm.s32 $0x1BF5;
	[smem:$0x3FBB] =	sst s0  }
0x18: {  	s0 =	sld [smem:$0x3F9E];
	_ =	swait.ge [sflag:s4], $0x0  }
0x19: {  	s7 =	sld [smem:$0x3F9F]  }
0x1a: {  	s8 =	sadd.s32 $0xFFFFE003, lr  }
0x1b: {  	s9 =	sadd.s32 $0xFFFFFEF7, lr;
	s5 =	simm.s32 $0xFFFFFFFF;
	p2 =	slt.u32 s8, $0xFFFFF086  }
0x1c: {  	p1 =	slt.u32 s9, $0xF7A;
	s5 =	simm.s32 @!p2 $0x0  }
0x1d: {  	s5 =	simm.s32 @p1 $0x1;
	p0 =	seq.s32 s7, s2  }
0x1e: {  	s7 =	smul.u32 @!p0 $0xF7A, s2;
	p2 =	seq.s32 @!p0 s5, $0x0  }
0x1f: {  	s9 =	smul.u32 $0xF7A, s1;
	s8 =	simm.s32 @!p0 $0x1BF5;
	p2 =	por !p2, p0  }
0x20: {  	[sflag:s8] =	ssyncset.s32 @!p0 $0xFFFFF086;
	s6 =	sadd.s32 @!p0 s3, s7;
	s7 =	simm.s32 @!p0 $0x108  }
0x21: {  	s3 =	sadd.s32 s3, s9;
	s6 =	sadd.s32 @!p0 $0x88, s6;
	s7 =	simm.s32 @p2 $0x1082  }
0x22: {  	[simem:s7], [sflag:s8] =	dma.local @!p0 [hbm:s6], $0xF7A  }
0x23: {  	s9 =	sor.u32 $0xD0000000, s2;
	s6 =	simm.s32 $0x108;
	_ =	swait.ge @!p0 [sflag:s8], $0x0  }
0x24: {  	s3 =	sadd.s32 $0x88, s3;
	s6 =	simm.s32 @!p1 $0x1082;
	[sflag:s4] =	ssyncset.s32 $0xFFFFF086  }
0x25: {  	[simem:s6], [sflag:s4] =	dma.local [hbm:s3], $0xF7A  }
0x26: {  	[smem:$0x3F9F] =	sst s1;
	(tag) =	ssettag s2;
	_ =	strace s9  }
0x27: {  	s1 =	sld [smem:$0x3FAF]  }
0x28: {  	s2 =	sld [smem:$0x3FB0]  }
0x29: {  	s4 =	sld [smem:$0x3FB2]  }
0x2a: {  	p0 =	seq.s32 s5, $0x0;
	s5 =	sld [smem:$0x3FB3]  }
0x2b: {  	s6 =	sld [smem:$0x3FB4]  }
0x2c: {  	s7 =	sld [smem:$0x3FB5]  }
0x2d: {  	s3 =	simm.s32 $0x108;
	s8 =	sld [smem:$0x3FB6]  }
0x2e: {  	s3 =	simm.s32 @!p0 $0x1082;
	s9 =	sld [smem:$0x3FB7]  }
0x2f: {  	lr =	sadd.s32 s0, s3;
	s0 =	sld [smem:$0x3FAE]  }
0x30: {  	s3 =	sld [smem:$0x3FB1]  }
0x31: {  	[smem:$0x3FBA] =	sst s10  }
0x32: {  	s10 =	sld [smem:$0x3FB8];
	_ =	sdelay $0x3  }
0x33: {  	p0 =	seq.s32 s10, $0x1;
	s10 =	sld [smem:$0x3FBA];
	_ =	sdelay $0x3  }
0x34: {  	[smem:$0x3FBA] =	sst s10  }
0x35: {  	s10 =	sld [smem:$0x3FB9];
	_ =	sdelay $0x3  }
0x36: {  	p1 =	seq.s32 s10, $0x1;
	s10 =	sld [smem:$0x3FBA];
	_ =	sdelay $0x3  }
0x37: {  	[smem:$0x3FBA] =	sst s10  }
0x38: {  	s10 =	sld [smem:$0x3FBB]  }
0x39: {  	_ = 	snop;
	(pc) =	sbr.ind lr, $3  }
0x3a: {  	_ = 	snop  }
0x3b: {  	_ = 	snop  }
0x3c: {  	p2 =	seq.s32 s10, $0x1;
	s10 =	sld [smem:$0x3FBA]  }
0x3d: {  	_ =	shalt  }
0x3e: {  	_ =	shalt  }
0x3f: {  	_ =	shalt  }
0x40: {  	_ =	shalt  }
0x41: {  	_ =	shalt  }
0x42: {  	_ =	shalt  }
0x43: {  	_ =	shalt  }
0x44: {  	_ =	shalt  }
0x45: {  	_ =	shalt  }
0x46: {  	_ =	shalt  }
0x47: {  	_ =	shalt  }
0x48: {  	_ =	shalt  }
0x49: {  	_ =	shalt  }
0x4a: {  	_ =	shalt  }
0x4b: {  	_ =	shalt  }
0x4c: {  	_ =	shalt  }
0x4d: {  	_ =	shalt  }
0x4e: {  	_ =	shalt  }
0x4f: {  	_ =	shalt  }
0x50: {  	_ =	shalt  }
0x51: {  	_ =	shalt  }
0x52: {  	_ =	shalt  }
0x53: {  	_ =	shalt  }
0x54: {  	_ =	shalt  }
0x55: {  	_ =	shalt  }
0x56: {  	_ =	shalt  }
0x57: {  	_ =	shalt  }
0x58: {  	_ =	shalt  }
0x59: {  	_ =	shalt  }
0x5a: {  	_ =	shalt  }
0x5b: {  	_ =	shalt  }
0x5c: {  	_ =	shalt  }
0x5d: {  	_ =	shalt  }
0x5e: {  	_ =	shalt  }
0x5f: {  	_ =	shalt  }
0x60: {  	_ =	shalt  }
0x61: {  	_ =	shalt  }
0x62: {  	_ =	shalt  }
0x63: {  	_ =	shalt  }
0x64: {  	_ =	shalt  }
0x65: {  	_ =	shalt  }
0x66: {  	_ =	shalt  }
0x67: {  	_ =	shalt  }
0x68: {  	_ =	shalt  }
0x69: {  	_ =	shalt  }
0x6a: {  	_ =	shalt  }
0x6b: {  	_ =	shalt  }
0x6c: {  	_ =	shalt  }
0x6d: {  	_ =	shalt  }
0x6e: {  	_ =	shalt  }
0x6f: {  	_ =	shalt  }
0x70: {  	_ =	shalt  }
0x71: {  	_ =	shalt  }
0x72: {  	_ =	shalt  }
0x73: {  	_ =	shalt  }
0x74: {  	_ =	shalt  }
0x75: {  	_ =	shalt  }
0x76: {  	_ =	shalt  }
0x77: {  	_ =	shalt  }
0x78: {  	_ =	shalt  }
0x79: {  	_ =	shalt  }
0x7a: {  	_ =	shalt  }
0x7b: {  	_ =	shalt  }
0x7c: {  	_ =	shalt  }
0x7d: {  	_ =	shalt  }
0x7e: {  	_ =	shalt  }
0x7f: {  	_ =	shalt  }
0x80: {  	_ =	shalt  }
0x81: {  	_ =	shalt  }
0x82: {  	_ =	shalt  }
0x83: {  	_ =	shalt  }
0x84: {  	_ =	shalt  }
0x85: {  	_ =	shalt  }
0x86: {  	_ =	shalt  }
0x87: {  	_ =	shalt  }
.Lfunc_end0:
.L_simem_size_0:
called_computation.1_lowered:
.L_overlay_start_0:
0x88: {  	s2 =	sld [smem:$0x3FD9]  }
0x89: {  	s3 =	sld [smem:$0x3FFE];
	_ =	sdelay $0x1  }
0x8a: {  	s1 =	srdreg.scid  }
0x8b: {  	s0 =	sand.u32 $0x1, s1  }
0x8c: {  	s17 =	sshll.u32 s0, $0xA;
	s2 =	sadd.s32 s3, s2  }
0x8d: {  	s2 =	sadd.s32 s2, s17  }
0x8e: {  	[smem:$0x3FC6] =	sst s2  }
0x8f: {  	_ = 	snop  }
0x90: {  	s2 =	sld [smem:$0x3FD0];
	(tm) =	ssettm $0x1  }
0x91: {  	s18 =	sld [smem:$0x3FFB];
	_ =	sdelay $0x3  }
0x92: {  	_ =	strace s18  }
0x93: {  	s3 =	sld [smem:$0x3FFC];
	_ =	sdelay $0x3  }
0x94: {  	_ =	strace s3  }
0x95: {  	s3 =	sld [smem:$0x3FFD];
	_ =	sdelay $0x3  }
0x96: {  	_ =	strace s3  }
0x97: {  	_ =	strace $0x8FFFFFFF  }
0x98: {  	s19 =	sld [smem:$0x3FDB];
	_ =	sdelay $0x1  }
0x99: {  	s4 =	simm.s32 $_scs_section_size  }
0x9a: {  	s5 =	simm.s32 $_size__tile_overlayer_lowered;
	s6 =	simm.s32 $_tile_overlayer_lowered  }
0x9b: {  	s22 =	simm.s32 $0x1BFF;
	s21 =	sshll.u32 s6, $0x1;
	s3 =	sadd.s32 s4, s19  }
0x9c: {  	s7 =	simm.s32 $0x0;
	s20 =	sshll.u32 s5, $0x1;
	s5 =	sadd.s32 s21, s3  }
0x9d: {  	[timem:s7], [sflag:s22] =	dma.local [hbm:s5], s20  }
0x9e: {  	_ =	swait.ge [sflag:s22], s20  }
0x9f: {  	s4 =	ssub.s32 $0x0, s20;
	[sflag:s22] =	ssyncset.done $0x0  }
0xa0: {  	[sflag:s22] =	ssyncadd.s32 s4;
	_ =	sdelay $0x1  }
0xa1: {  	s23 =	simm.s32 $0x1B8B  }
0xa2: {  	_ =	swait.ge [sflag:s23], $0x1  }
0xa3: {  	[sflag:s23] =	ssyncset.done $0x0  }
0xa4: {  	s25 =	simm.s32 $0x1B8E;
	s24 =	sld [smem:$0x3FFE];
	[sflag:s23] =	ssyncadd.s32 $0xFFFFFFFF  }
0xa5: {  	s26 =	simm.s32 $execute0_lowered;
	[smem:$0x3FD2] =	sst s25  }
0xa6: {  	s5 =	sshll.u32 s26, $0x1;
	_ =	strace $0x80000046;
	[dreg:$0x1] =	wrdreg $0xFFFFFFFF  }
0xa7: {  	s28 =	simm.s32 $_size_execute0_lowered;
	s3 =	sadd.s32 s3, s5;
	[dreg:$0x0] =	wrdreg $0x0  }
0xa8: {  	s5 =	sshll.u32 s28, $0x1;
	[dreg:$0x2] =	wrdreg s3  }
0xa9: {  	[dreg:$0x3] =	wrdreg s5  }
0xaa: {  	[dreg:$0x4] =	wrdreg $0xC0  }
0xab: {  	_ =	task [dreg:s7], $0x5FFFF  }
0xac: {  	[dreg:$0x1] =	wrdreg $0xFFFFFFFF  }
0xad: {  	[dreg:$0x0] =	wrdreg $0x60  }
0xae: {  	[dreg:$0x2] =	wrdreg s24  }
0xaf: {  	[dreg:$0x3] =	wrdreg s2  }
0xb0: {  	[dreg:$0x4] =	wrdreg $0x9  }
0xb1: {  	_ =	task.clear_ibuf [dreg:s7], $0x5FFFF;
	_ =	strace $0x90000046  }
0xb2: {  	s29 =	simm.s32 $0x9;
	_ =	strace $0x80000048  }
0xb3: {  	_ =	swait.ge [sflag:s29], $0x1  }
0xb4: {  	[sflag:s29] =	ssyncadd.s32 $0xFFFFFFFF  }
0xb5: {  	_ =	strace $0x90000048  }
0xb6: {  	_ =	sfence  }
0xb7: {  	s30 =	sld [smem:$0x0];
	_ =	sdelay $0x2  }
0xb8: {  	s31 =	sshll.u32 s1, $0xD;
	s1 =	sshrl.u32 s1, $0x2  }
0xb9: {  	s3 =	sand.u32 $0x4000, s31;
	s1 =	sadd.s32 s1, s30  }
0xba: {  	s0 =	sor.u32 s3, s0;
	s1 =	sshll.u32 s1, $0x11  }
0xbb: {  	s0 =	sor.u32 s1, s0  }
0xbc: {  	s0 =	sadd.s32 $0x8F2B, s0  }
0xbd: {  	[sflag:s0] =	ssyncadd.remote.s32 $0x1  }
0xbe: {  	_ =	sfence.sel $0xFFFF  }
0xbf: {  	[dreg:$0x0] =	wrdreg $0xFFFFFFFF;
	(pc) =	sbr.abs _section_cstart, $3  }
0xc0: {  	[dreg:$0x1] =	wrdreg $0xFFFFFFFF  }
0xc1: {  	_ =	task.clear_ibuf [dreg:s7], $0x2FFFF;
	_ =	strace $0x9FFFFFFF  }
0xc2: {  	(tm) =	ssettm $0x7FFFFFFF  }
0xc3: {  	_ =	shalt  }
tec
execute0_lowered:
.L_overlay_start_1:
0x0: {  	(tag) =	ssettag $0x1  }
0x1: {  	s1 =	srdreg.scid  }
0x2: {  	s0 =	stileid.u32;
	s5 =	rddreg [dreg:$0x0]  }
0x3: {  	s4 =	sand.u32 $0x1, s1;
	s17 =	smul.u32 $0xC800, s0;
	s2 =	sshll.u32 s0, $0x1  }
0x4: {  	s7 =	rddreg [dreg:$0x1];
	s3 =	smul.u32 $0x6400, s4;
	s2 =	sor.u32 s4, s2  }
0x5: {  	s24 =	simm.s32 $0x7080;
	s6 =	smul.u32 $0x6400, s2;
	s2 =	simm.s32 $0x0  }
0x6: {  	s25 =	simm.s32 $0x7D00;
	s1 =	sadd.s32 s3, s17;
	[smem:$0x7FF] =	sst s2  }
0x7: {  	s3 =	smulhi.u32 $0x51EB852, s1;
	s8 =	sor.u32 $0x190, s1;
	s1 =	rddreg [dreg:$0x2]  }
0x8: {  	s26 =	simm.s32 $0x8980;
	_ =	strace $0x80000047;
	[dreg:$0x5] =	wrdreg s24  }
0x9: {  	s28 =	simm.s32 $0x9600;
	s29 =	simm.s32 $0xA280;
	[dreg:$0x6] =	wrdreg s25  }
0xa: {  	s30 =	simm.s32 $0xAF00;
	s10 =	simm.s32 $0xBB80;
	[dreg:$0x7] =	wrdreg s26  }
0xb: {  	s11 =	simm.s32 $0xD480;
	s12 =	simm.s32 $0xE100;
	[dreg:$0x8] =	wrdreg s28  }
0xc: {  	s31 =	simm.s32 $0xED80;
	s13 =	simm.s32 $0x10680;
	[dreg:$0x9] =	wrdreg s29  }
0xd: {  	s14 =	simm.s32 $0x11300;
	s15 =	simm.s32 $0x11F80;
	[dreg:$0xa] =	wrdreg s30  }
0xe: {  	s16 =	simm.s32 $0x0;
	s4 =	ssub.s32 $0x2, s4;
	[dreg:$0xb] =	wrdreg s10  }
0xf: {  	s23 =	sshrl.u32 s4, $0x1;
	s18 =	sshrl.u32 s6, $0x3;
	[dreg:$0xc] =	wrdreg s11  }
0x10: {  	s6 =	ssub.s32 s4, s23;
	s10 =	simm.s32 $0x1;
	[dreg:$0xd] =	wrdreg s12  }
0x11: {  	s11 =	simm.s32 $0x2;
	[dreg:$0xe] =	wrdreg s31;
	s8 =	smulhi.u32 $0x51EB852, s8  }
0x12: {  	s12 =	simm.s32 $0xFA00;
	s20 =	sadd.s32 s18, s5;
	s9 =	smul.u32 $0x190, s3  }
0x13: {  	s3 =	sadd.s32 $0x19800, s5;
	s4 =	sadd.s32 $0x800, s20;
	s19 =	smul.u32 $0x190, s8  }
0x14: {  	s5 =	smax.u32 s6, $0x1;
	s6 =	simm.s32 $0x3;
	s21 =	sadd.s32 s9, s7  }
0x15: {  	s8 =	simm.s32 $0x6400;
	[dreg:$0x3] =	wrdreg s21;
	s22 =	sadd.s32 s19, s7  }
0x16: {  	s9 =	simm.s32 $0xC800;
	s7 =	simm.s32 $0x190;
	[dreg:$0x4] =	wrdreg s22  }
.LBB2_1:
0x17: {  	[tilespmem:s2], [sflag:$0x3] =	stream.linear.gather [hbm4b:s4+s2], $0x6400, $0x38;
	[tilespmem:$0x12C00] =	vst v63  }
0x18: {  	_ =	swait.ge [sflag:s6], $0x6400  }
0x19: {  	[sflag:s6] =	ssyncset.done $0x0  }
0x1a: {  	[sflag:s6] =	ssyncadd.s32 $0xFFFF9C00  }
0x1b: {  	[tilespmem:s8], [sflag:$0x1] =	stream.indirect.gather [hbm4b:s3+s7], $0x40, s2, s7, $0xb8;
	[tilespmem:$0x12C00] =	vst v63  }
0x1c: {  	s17 =	simm.s32 $0x190  }
0x1d: {  	[tilespmem:s9], [sflag:$0x2] =	stream.indirect.gather [hbm4b:s3+s7], $0x40, s17, s7, $0xb8;
	[tilespmem:$0x12C00] =	vst v63  }
0x1e: {  	_ =	swait.ge [sflag:s10], $0x6400  }
0x1f: {  	s20 =	rddreg [dreg:$0x3];
	[sflag:s10] =	ssyncset.done $0x0  }
0x20: {  	[sflag:s10] =	ssyncadd.s32 $0xFFFF9C00;
	s17 =	sadd.s32 $0x0, s20  }
0x21: {  	[hbm4b:s17+s2] =	stream.linear.scatter [tilespmem:s8], [sflag:$0x3], $0xC80, $0x38;
	[tilespmem:$0x12C00] =	vst v63  }
0x22: {  	_ =	swait.ge [sflag:s6], $0xC80  }
0x23: {  	[sflag:s6] =	ssyncset.done $0x0  }
0x24: {  	s19 =	sadd.s32 $0x190, s17;
	s18 =	rddreg [dreg:$0x5];
	[sflag:s6] =	ssyncadd.s32 $0xFFFFF380  }
0x25: {  	[hbm4b:s19+s2] =	stream.linear.scatter [tilespmem:s18], [sflag:$0x3], $0xC80, $0x38;
	[tilespmem:$0x12C00] =	vst v63  }
0x26: {  	_ =	swait.ge [sflag:s6], $0xC80  }
0x27: {  	[sflag:s6] =	ssyncset.done $0x0  }
0x28: {  	s22 =	sadd.s32 $0x320, s17;
	s21 =	rddreg [dreg:$0x6];
	[sflag:s6] =	ssyncadd.s32 $0xFFFFF380  }
0x29: {  	[hbm4b:s22+s2] =	stream.linear.scatter [tilespmem:s21], [sflag:$0x3], $0xC80, $0x38;
	[tilespmem:$0x12C00] =	vst v63  }
0x2a: {  	_ =	swait.ge [sflag:s6], $0xC80  }
0x2b: {  	[sflag:s6] =	ssyncset.done $0x0  }
0x2c: {  	s24 =	sadd.s32 $0x4B0, s17;
	s23 =	rddreg [dreg:$0x7];
	[sflag:s6] =	ssyncadd.s32 $0xFFFFF380  }
0x2d: {  	[hbm4b:s24+s2] =	stream.linear.scatter [tilespmem:s23], [sflag:$0x3], $0xC80, $0x38;
	[tilespmem:$0x12C00] =	vst v63  }
0x2e: {  	_ =	swait.ge [sflag:s6], $0xC80  }
0x2f: {  	[sflag:s6] =	ssyncset.done $0x0  }
0x30: {  	s26 =	sadd.s32 $0x640, s17;
	s25 =	rddreg [dreg:$0x8];
	[sflag:s6] =	ssyncadd.s32 $0xFFFFF380  }
0x31: {  	[hbm4b:s26+s2] =	stream.linear.scatter [tilespmem:s25], [sflag:$0x3], $0xC80, $0x38;
	[tilespmem:$0x12C00] =	vst v63  }
0x32: {  	_ =	swait.ge [sflag:s6], $0xC80  }
0x33: {  	[sflag:s6] =	ssyncset.done $0x0  }
0x34: {  	s29 =	sadd.s32 $0x7D0, s17;
	s28 =	rddreg [dreg:$0x9];
	[sflag:s6] =	ssyncadd.s32 $0xFFFFF380  }
0x35: {  	[hbm4b:s29+s2] =	stream.linear.scatter [tilespmem:s28], [sflag:$0x3], $0xC80, $0x38;
	[tilespmem:$0x12C00] =	vst v63  }
0x36: {  	_ =	swait.ge [sflag:s6], $0xC80  }
0x37: {  	[sflag:s6] =	ssyncset.done $0x0  }
0x38: {  	s31 =	sadd.s32 $0x960, s17;
	s30 =	rddreg [dreg:$0xa];
	[sflag:s6] =	ssyncadd.s32 $0xFFFFF380  }
0x39: {  	[hbm4b:s31+s2] =	stream.linear.scatter [tilespmem:s30], [sflag:$0x3], $0xC80, $0x38;
	[tilespmem:$0x12C00] =	vst v63  }
0x3a: {  	_ =	swait.ge [sflag:s6], $0xC80  }
0x3b: {  	[sflag:s6] =	ssyncset.done $0x0  }
0x3c: {  	s17 =	sadd.s32 $0xAF0, s17;
	s20 =	rddreg [dreg:$0xb];
	[sflag:s6] =	ssyncadd.s32 $0xFFFFF380  }
0x3d: {  	[hbm4b:s17+s2] =	stream.linear.scatter [tilespmem:s20], [sflag:$0x3], $0xC80, $0x38;
	[tilespmem:$0x12C00] =	vst v63  }
0x3e: {  	p0 =	por $0x0, $0x0;
	_ =	swait.ge [sflag:s6], $0xC80  }
0x3f: {  	s18 =	simm.s32 @!p0 $0x190;
	[sflag:s6] =	ssyncset.done $0x0  }
0x40: {  	s19 =	simm.s32 @!p0 $0x6400;
	s17 =	simm.s32 $0x320;
	[sflag:s6] =	ssyncadd.s32 $0xFFFFF380  }
0x41: {  	[tilespmem:s19], [sflag:$0x1] =	stream.indirect.gather @!p0 [hbm4b:s3+s18], $0x40, s17, s18, $0xb8;
	[tilespmem:$0x12C00] =	vst v63  }
0x42: {  	_ =	swait.ge [sflag:s11], $0x6400  }
0x43: {  	s21 =	rddreg [dreg:$0x4];
	[sflag:s11] =	ssyncset.done $0x0  }
0x44: {  	[sflag:s11] =	ssyncadd.s32 $0xFFFF9C00;
	s17 =	sadd.s32 $0x0, s21  }
0x45: {  	[hbm4b:s17+s2] =	stream.linear.scatter [tilespmem:s9], [sflag:$0x3], $0xC80, $0x38;
	[tilespmem:$0x12C00] =	vst v63  }
0x46: {  	_ =	swait.ge [sflag:s6], $0xC80  }
0x47: {  	[sflag:s6] =	ssyncset.done $0x0  }
0x48: {  	s23 =	sadd.s32 $0x190, s17;
	s22 =	rddreg [dreg:$0xc];
	[sflag:s6] =	ssyncadd.s32 $0xFFFFF380  }
0x49: {  	[hbm4b:s23+s2] =	stream.linear.scatter [tilespmem:s22], [sflag:$0x3], $0xC80, $0x38;
	[tilespmem:$0x12C00] =	vst v63  }
0x4a: {  	_ =	swait.ge [sflag:s6], $0xC80  }
0x4b: {  	[sflag:s6] =	ssyncset.done $0x0  }
0x4c: {  	s25 =	sadd.s32 $0x320, s17;
	s24 =	rddreg [dreg:$0xd];
	[sflag:s6] =	ssyncadd.s32 $0xFFFFF380  }
0x4d: {  	[hbm4b:s25+s2] =	stream.linear.scatter [tilespmem:s24], [sflag:$0x3], $0xC80, $0x38;
	[tilespmem:$0x12C00] =	vst v63  }
0x4e: {  	_ =	swait.ge [sflag:s6], $0xC80  }
0x4f: {  	[sflag:s6] =	ssyncset.done $0x0  }
0x50: {  	s28 =	sadd.s32 $0x4B0, s17;
	s26 =	rddreg [dreg:$0xe];
	[sflag:s6] =	ssyncadd.s32 $0xFFFFF380  }
0x51: {  	[hbm4b:s28+s2] =	stream.linear.scatter [tilespmem:s26], [sflag:$0x3], $0xC80, $0x38;
	[tilespmem:$0x12C00] =	vst v63  }
0x52: {  	_ =	swait.ge [sflag:s6], $0xC80  }
0x53: {  	[sflag:s6] =	ssyncset.done $0x0  }
0x54: {  	s29 =	sadd.s32 $0x640, s17;
	[sflag:s6] =	ssyncadd.s32 $0xFFFFF380  }
0x55: {  	[hbm4b:s29+s2] =	stream.linear.scatter [tilespmem:s12], [sflag:$0x3], $0xC80, $0x38;
	[tilespmem:$0x12C00] =	vst v63  }
0x56: {  	_ =	swait.ge [sflag:s6], $0xC80  }
0x57: {  	[sflag:s6] =	ssyncset.done $0x0  }
0x58: {  	s30 =	sadd.s32 $0x7D0, s17;
	[sflag:s6] =	ssyncadd.s32 $0xFFFFF380  }
0x59: {  	[hbm4b:s30+s2] =	stream.linear.scatter [tilespmem:s13], [sflag:$0x3], $0xC80, $0x38;
	[tilespmem:$0x12C00] =	vst v63  }
0x5a: {  	_ =	swait.ge [sflag:s6], $0xC80  }
0x5b: {  	[sflag:s6] =	ssyncset.done $0x0  }
0x5c: {  	s31 =	sadd.s32 $0x960, s17;
	[sflag:s6] =	ssyncadd.s32 $0xFFFFF380  }
0x5d: {  	[hbm4b:s31+s2] =	stream.linear.scatter [tilespmem:s14], [sflag:$0x3], $0xC80, $0x38;
	[tilespmem:$0x12C00] =	vst v63  }
0x5e: {  	_ =	swait.ge [sflag:s6], $0xC80  }
0x5f: {  	[sflag:s6] =	ssyncset.done $0x0  }
0x60: {  	s17 =	sadd.s32 $0xAF0, s17;
	[sflag:s6] =	ssyncadd.s32 $0xFFFFF380  }
0x61: {  	[hbm4b:s17+s2] =	stream.linear.scatter [tilespmem:s15], [sflag:$0x3], $0xC80, $0x38;
	[tilespmem:$0x12C00] =	vst v63  }
0x62: {  	s19 =	simm.s32 $0x3200;
	_ =	swait.ge [sflag:s6], $0xC80  }
0x63: {  	s18 =	simm.s32 $0x640;
	s17 =	simm.s32 $0x1900;
	[sflag:s6] =	ssyncset.done $0x0  }
.LBB2_2:
0x64: {  	s21 =	sadd.s32 $0xFFFFFE70, s18;
	[sflag:s6] =	ssyncadd.s32 $0xFFFFF380  }
0x65: {  	[tilespmem:s9], [sflag:$0x2] =	stream.indirect.gather [hbm4b:s3+s7], $0x40, s21, s7, $0xb8;
	[tilespmem:$0x12C00] =	vst v63  }
0x66: {  	_ =	swait.ge [sflag:s10], $0x6400  }
0x67: {  	s24 =	rddreg [dreg:$0x3];
	[sflag:s10] =	ssyncset.done $0x0  }
0x68: {  	[sflag:s10] =	ssyncadd.s32 $0xFFFF9C00;
	s21 =	sadd.s32 s17, s24  }
0x69: {  	[hbm4b:s21+s2] =	stream.linear.scatter [tilespmem:s8], [sflag:$0x3], $0xC80, $0x38;
	[tilespmem:$0x12C00] =	vst v63  }
0x6a: {  	_ =	swait.ge [sflag:s6], $0xC80  }
0x6b: {  	[sflag:s6] =	ssyncset.done $0x0  }
0x6c: {  	s23 =	sadd.s32 $0x190, s21;
	s22 =	rddreg [dreg:$0x5];
	[sflag:s6] =	ssyncadd.s32 $0xFFFFF380  }
0x6d: {  	[hbm4b:s23+s2] =	stream.linear.scatter [tilespmem:s22], [sflag:$0x3], $0xC80, $0x38;
	[tilespmem:$0x12C00] =	vst v63  }
0x6e: {  	_ =	swait.ge [sflag:s6], $0xC80  }
0x6f: {  	[sflag:s6] =	ssyncset.done $0x0  }
0x70: {  	s26 =	sadd.s32 $0x320, s21;
	s25 =	rddreg [dreg:$0x6];
	[sflag:s6] =	ssyncadd.s32 $0xFFFFF380  }
0x71: {  	[hbm4b:s26+s2] =	stream.linear.scatter [tilespmem:s25], [sflag:$0x3], $0xC80, $0x38;
	[tilespmem:$0x12C00] =	vst v63  }
0x72: {  	_ =	swait.ge [sflag:s6], $0xC80  }
0x73: {  	[sflag:s6] =	ssyncset.done $0x0  }
0x74: {  	s29 =	sadd.s32 $0x4B0, s21;
	s28 =	rddreg [dreg:$0x7];
	[sflag:s6] =	ssyncadd.s32 $0xFFFFF380  }
0x75: {  	[hbm4b:s29+s2] =	stream.linear.scatter [tilespmem:s28], [sflag:$0x3], $0xC80, $0x38;
	[tilespmem:$0x12C00] =	vst v63  }
0x76: {  	_ =	swait.ge [sflag:s6], $0xC80  }
0x77: {  	[sflag:s6] =	ssyncset.done $0x0  }
0x78: {  	s31 =	sadd.s32 $0x640, s21;
	s30 =	rddreg [dreg:$0x8];
	[sflag:s6] =	ssyncadd.s32 $0xFFFFF380  }
0x79: {  	[hbm4b:s31+s2] =	stream.linear.scatter [tilespmem:s30], [sflag:$0x3], $0xC80, $0x38;
	[tilespmem:$0x12C00] =	vst v63  }
0x7a: {  	_ =	swait.ge [sflag:s6], $0xC80  }
0x7b: {  	[sflag:s6] =	ssyncset.done $0x0  }
0x7c: {  	s24 =	sadd.s32 $0x7D0, s21;
	s23 =	rddreg [dreg:$0x9];
	[sflag:s6] =	ssyncadd.s32 $0xFFFFF380  }
0x7d: {  	[hbm4b:s24+s2] =	stream.linear.scatter [tilespmem:s23], [sflag:$0x3], $0xC80, $0x38;
	[tilespmem:$0x12C00] =	vst v63  }
0x7e: {  	_ =	swait.ge [sflag:s6], $0xC80  }
0x7f: {  	[sflag:s6] =	ssyncset.done $0x0  }
0x80: {  	s26 =	sadd.s32 $0x960, s21;
	s25 =	rddreg [dreg:$0xa];
	[sflag:s6] =	ssyncadd.s32 $0xFFFFF380  }
0x81: {  	[hbm4b:s26+s2] =	stream.linear.scatter [tilespmem:s25], [sflag:$0x3], $0xC80, $0x38;
	[tilespmem:$0x12C00] =	vst v63  }
0x82: {  	_ =	swait.ge [sflag:s6], $0xC80  }
0x83: {  	[sflag:s6] =	ssyncset.done $0x0  }
0x84: {  	s21 =	sadd.s32 $0xAF0, s21;
	s28 =	rddreg [dreg:$0xb];
	[sflag:s6] =	ssyncadd.s32 $0xFFFFF380  }
0x85: {  	[hbm4b:s21+s2] =	stream.linear.scatter [tilespmem:s28], [sflag:$0x3], $0xC80, $0x38;
	[tilespmem:$0x12C00] =	vst v63  }
0x86: {  	_ =	swait.ge [sflag:s6], $0xC80  }
0x87: {  	p1 =	seq.s32 s17, $0x30700;
	[sflag:s6] =	ssyncset.done $0x0  }
0x88: {  	s22 =	simm.s32 @!p1 $0x6400;
	s21 =	simm.s32 @!p1 $0x190;
	[sflag:s6] =	ssyncadd.s32 $0xFFFFF380  }
0x89: {  	[tilespmem:s22], [sflag:$0x1] =	stream.indirect.gather @!p1 [hbm4b:s3+s21], $0x40, s18, s21, $0xb8;
	[tilespmem:$0x12C00] =	vst v63  }
0x8a: {  	_ =	swait.ge [sflag:s11], $0x6400  }
0x8b: {  	s29 =	rddreg [dreg:$0x4];
	[sflag:s11] =	ssyncset.done $0x0  }
0x8c: {  	[sflag:s11] =	ssyncadd.s32 $0xFFFF9C00;
	s21 =	sadd.s32 s17, s29  }
0x8d: {  	[hbm4b:s21+s2] =	stream.linear.scatter [tilespmem:s9], [sflag:$0x3], $0xC80, $0x38;
	[tilespmem:$0x12C00] =	vst v63  }
0x8e: {  	_ =	swait.ge [sflag:s6], $0xC80  }
0x8f: {  	[sflag:s6] =	ssyncset.done $0x0  }
0x90: {  	s31 =	sadd.s32 $0x190, s21;
	s30 =	rddreg [dreg:$0xc];
	[sflag:s6] =	ssyncadd.s32 $0xFFFFF380  }
0x91: {  	[hbm4b:s31+s2] =	stream.linear.scatter [tilespmem:s30], [sflag:$0x3], $0xC80, $0x38;
	[tilespmem:$0x12C00] =	vst v63  }
0x92: {  	_ =	swait.ge [sflag:s6], $0xC80  }
0x93: {  	[sflag:s6] =	ssyncset.done $0x0  }
0x94: {  	s24 =	sadd.s32 $0x320, s21;
	s23 =	rddreg [dreg:$0xd];
	[sflag:s6] =	ssyncadd.s32 $0xFFFFF380  }
0x95: {  	[hbm4b:s24+s2] =	stream.linear.scatter [tilespmem:s23], [sflag:$0x3], $0xC80, $0x38;
	[tilespmem:$0x12C00] =	vst v63  }
0x96: {  	_ =	swait.ge [sflag:s6], $0xC80  }
0x97: {  	[sflag:s6] =	ssyncset.done $0x0  }
0x98: {  	s26 =	sadd.s32 $0x4B0, s21;
	s25 =	rddreg [dreg:$0xe];
	[sflag:s6] =	ssyncadd.s32 $0xFFFFF380  }
0x99: {  	[hbm4b:s26+s2] =	stream.linear.scatter [tilespmem:s25], [sflag:$0x3], $0xC80, $0x38;
	[tilespmem:$0x12C00] =	vst v63  }
0x9a: {  	_ =	swait.ge [sflag:s6], $0xC80  }
0x9b: {  	[sflag:s6] =	ssyncset.done $0x0  }
0x9c: {  	s28 =	sadd.s32 $0x640, s21;
	[sflag:s6] =	ssyncadd.s32 $0xFFFFF380  }
0x9d: {  	[hbm4b:s28+s2] =	stream.linear.scatter [tilespmem:s12], [sflag:$0x3], $0xC80, $0x38;
	[tilespmem:$0x12C00] =	vst v63  }
0x9e: {  	_ =	swait.ge [sflag:s6], $0xC80  }
0x9f: {  	[sflag:s6] =	ssyncset.done $0x0  }
0xa0: {  	s29 =	sadd.s32 $0x7D0, s21;
	[sflag:s6] =	ssyncadd.s32 $0xFFFFF380  }
0xa1: {  	[hbm4b:s29+s2] =	stream.linear.scatter [tilespmem:s13], [sflag:$0x3], $0xC80, $0x38;
	[tilespmem:$0x12C00] =	vst v63  }
0xa2: {  	_ =	swait.ge [sflag:s6], $0xC80  }
0xa3: {  	s20 =	smov.u32 s19;
	[sflag:s6] =	ssyncset.done $0x0  }
0xa4: {  	s19 =	sadd.s32 $0x1900, s19;
	s30 =	sadd.s32 $0x960, s21;
	[sflag:s6] =	ssyncadd.s32 $0xFFFFF380  }
0xa5: {  	[hbm4b:s30+s2] =	stream.linear.scatter [tilespmem:s14], [sflag:$0x3], $0xC80, $0x38;
	[tilespmem:$0x12C00] =	vst v63  }
0xa6: {  	p0 =	sne.s32 s19, $0x32000;
	_ =	swait.ge [sflag:s6], $0xC80  }
.Ltmp0:
0xa7: {  	[sflag:s6] =	ssyncset.done $0x0;
	(pc) =	sbr.rel @p0 .LBB2_2-.Ltmp0, $4  }
0xa8: {  	s31 =	sadd.s32 $0xAF0, s21;
	[sflag:s6] =	ssyncadd.s32 $0xFFFFF380  }
0xa9: {  	[hbm4b:s31+s2] =	stream.linear.scatter [tilespmem:s15], [sflag:$0x3], $0xC80, $0x38;
	[tilespmem:$0x12C00] =	vst v63  }
0xaa: {  	_ =	swait.ge [sflag:s6], $0xC80  }
0xab: {  	s18 =	sadd.s32 $0x320, s18;
	s17 =	smov.u32 s20;
	[sflag:s6] =	ssyncset.done $0x0  }
0xac: {  	s19 =	sadd.s32 $0xFFFFFE70, s18;
	[sflag:s6] =	ssyncadd.s32 $0xFFFFF380  }
0xad: {  	[tilespmem:s9], [sflag:$0x2] =	stream.indirect.gather [hbm4b:s3+s7], $0x40, s19, s7, $0xb8;
	[tilespmem:$0x12C00] =	vst v63  }
0xae: {  	_ =	swait.ge [sflag:s10], $0x6400  }
0xaf: {  	s29 =	rddreg [dreg:$0x3];
	[sflag:s10] =	ssyncset.done $0x0  }
0xb0: {  	[sflag:s10] =	ssyncadd.s32 $0xFFFF9C00;
	s19 =	sadd.s32 s17, s29  }
0xb1: {  	[hbm4b:s19+s2] =	stream.linear.scatter [tilespmem:s8], [sflag:$0x3], $0xC80, $0x38;
	[tilespmem:$0x12C00] =	vst v63  }
0xb2: {  	_ =	swait.ge [sflag:s6], $0xC80  }
0xb3: {  	[sflag:s6] =	ssyncset.done $0x0  }
0xb4: {  	s21 =	sadd.s32 $0x190, s19;
	s20 =	rddreg [dreg:$0x5];
	[sflag:s6] =	ssyncadd.s32 $0xFFFFF380  }
0xb5: {  	[hbm4b:s21+s2] =	stream.linear.scatter [tilespmem:s20], [sflag:$0x3], $0xC80, $0x38;
	[tilespmem:$0x12C00] =	vst v63  }
0xb6: {  	_ =	swait.ge [sflag:s6], $0xC80  }
0xb7: {  	[sflag:s6] =	ssyncset.done $0x0  }
0xb8: {  	s31 =	sadd.s32 $0x320, s19;
	s30 =	rddreg [dreg:$0x6];
	[sflag:s6] =	ssyncadd.s32 $0xFFFFF380  }
0xb9: {  	[hbm4b:s31+s2] =	stream.linear.scatter [tilespmem:s30], [sflag:$0x3], $0xC80, $0x38;
	[tilespmem:$0x12C00] =	vst v63  }
0xba: {  	_ =	swait.ge [sflag:s6], $0xC80  }
0xbb: {  	[sflag:s6] =	ssyncset.done $0x0  }
0xbc: {  	s23 =	sadd.s32 $0x4B0, s19;
	s22 =	rddreg [dreg:$0x7];
	[sflag:s6] =	ssyncadd.s32 $0xFFFFF380  }
0xbd: {  	[hbm4b:s23+s2] =	stream.linear.scatter [tilespmem:s22], [sflag:$0x3], $0xC80, $0x38;
	[tilespmem:$0x12C00] =	vst v63  }
0xbe: {  	_ =	swait.ge [sflag:s6], $0xC80  }
0xbf: {  	[sflag:s6] =	ssyncset.done $0x0  }
0xc0: {  	s25 =	sadd.s32 $0x640, s19;
	s24 =	rddreg [dreg:$0x8];
	[sflag:s6] =	ssyncadd.s32 $0xFFFFF380  }
0xc1: {  	[hbm4b:s25+s2] =	stream.linear.scatter [tilespmem:s24], [sflag:$0x3], $0xC80, $0x38;
	[tilespmem:$0x12C00] =	vst v63  }
0xc2: {  	_ =	swait.ge [sflag:s6], $0xC80  }
0xc3: {  	[sflag:s6] =	ssyncset.done $0x0  }
0xc4: {  	s28 =	sadd.s32 $0x7D0, s19;
	s26 =	rddreg [dreg:$0x9];
	[sflag:s6] =	ssyncadd.s32 $0xFFFFF380  }
0xc5: {  	[hbm4b:s28+s2] =	stream.linear.scatter [tilespmem:s26], [sflag:$0x3], $0xC80, $0x38;
	[tilespmem:$0x12C00] =	vst v63  }
0xc6: {  	_ =	swait.ge [sflag:s6], $0xC80  }
0xc7: {  	[sflag:s6] =	ssyncset.done $0x0  }
0xc8: {  	s30 =	sadd.s32 $0x960, s19;
	s29 =	rddreg [dreg:$0xa];
	[sflag:s6] =	ssyncadd.s32 $0xFFFFF380  }
0xc9: {  	[hbm4b:s30+s2] =	stream.linear.scatter [tilespmem:s29], [sflag:$0x3], $0xC80, $0x38;
	[tilespmem:$0x12C00] =	vst v63  }
0xca: {  	_ =	swait.ge [sflag:s6], $0xC80  }
0xcb: {  	[sflag:s6] =	ssyncset.done $0x0  }
0xcc: {  	s19 =	sadd.s32 $0xAF0, s19;
	s31 =	rddreg [dreg:$0xb];
	[sflag:s6] =	ssyncadd.s32 $0xFFFFF380  }
0xcd: {  	[hbm4b:s19+s2] =	stream.linear.scatter [tilespmem:s31], [sflag:$0x3], $0xC80, $0x38;
	[tilespmem:$0x12C00] =	vst v63  }
0xce: {  	_ =	swait.ge [sflag:s6], $0xC80  }
0xcf: {  	p0 =	seq.s32 s17, $0x30700;
	[sflag:s6] =	ssyncset.done $0x0  }
0xd0: {  	s20 =	simm.s32 @!p0 $0x6400;
	s19 =	simm.s32 @!p0 $0x190;
	[sflag:s6] =	ssyncadd.s32 $0xFFFFF380  }
0xd1: {  	[tilespmem:s20], [sflag:$0x1] =	stream.indirect.gather @!p0 [hbm4b:s3+s19], $0x40, s18, s19, $0xb8;
	[tilespmem:$0x12C00] =	vst v63  }
0xd2: {  	_ =	swait.ge [sflag:s11], $0x6400  }
0xd3: {  	s20 =	rddreg [dreg:$0x4];
	[sflag:s11] =	ssyncset.done $0x0  }
0xd4: {  	[sflag:s11] =	ssyncadd.s32 $0xFFFF9C00;
	s21 =	sadd.s32 s17, s20  }
0xd5: {  	[hbm4b:s21+s2] =	stream.linear.scatter [tilespmem:s9], [sflag:$0x3], $0xC80, $0x38;
	[tilespmem:$0x12C00] =	vst v63  }
0xd6: {  	_ =	swait.ge [sflag:s6], $0xC80  }
0xd7: {  	[sflag:s6] =	ssyncset.done $0x0  }
0xd8: {  	s23 =	sadd.s32 $0x190, s21;
	s22 =	rddreg [dreg:$0xc];
	[sflag:s6] =	ssyncadd.s32 $0xFFFFF380  }
0xd9: {  	[hbm4b:s23+s2] =	stream.linear.scatter [tilespmem:s22], [sflag:$0x3], $0xC80, $0x38;
	[tilespmem:$0x12C00] =	vst v63  }
0xda: {  	_ =	swait.ge [sflag:s6], $0xC80  }
0xdb: {  	[sflag:s6] =	ssyncset.done $0x0  }
0xdc: {  	s25 =	sadd.s32 $0x320, s21;
	s24 =	rddreg [dreg:$0xd];
	[sflag:s6] =	ssyncadd.s32 $0xFFFFF380  }
0xdd: {  	[hbm4b:s25+s2] =	stream.linear.scatter [tilespmem:s24], [sflag:$0x3], $0xC80, $0x38;
	[tilespmem:$0x12C00] =	vst v63  }
0xde: {  	_ =	swait.ge [sflag:s6], $0xC80  }
0xdf: {  	[sflag:s6] =	ssyncset.done $0x0  }
0xe0: {  	s28 =	sadd.s32 $0x4B0, s21;
	s26 =	rddreg [dreg:$0xe];
	[sflag:s6] =	ssyncadd.s32 $0xFFFFF380  }
0xe1: {  	[hbm4b:s28+s2] =	stream.linear.scatter [tilespmem:s26], [sflag:$0x3], $0xC80, $0x38;
	[tilespmem:$0x12C00] =	vst v63  }
0xe2: {  	_ =	swait.ge [sflag:s6], $0xC80  }
0xe3: {  	[sflag:s6] =	ssyncset.done $0x0  }
0xe4: {  	s29 =	sadd.s32 $0x640, s21;
	[sflag:s6] =	ssyncadd.s32 $0xFFFFF380  }
0xe5: {  	[hbm4b:s29+s2] =	stream.linear.scatter [tilespmem:s12], [sflag:$0x3], $0xC80, $0x38;
	[tilespmem:$0x12C00] =	vst v63  }
0xe6: {  	_ =	swait.ge [sflag:s6], $0xC80  }
0xe7: {  	[sflag:s6] =	ssyncset.done $0x0  }
0xe8: {  	s30 =	sadd.s32 $0x7D0, s21;
	[sflag:s6] =	ssyncadd.s32 $0xFFFFF380  }
0xe9: {  	[hbm4b:s30+s2] =	stream.linear.scatter [tilespmem:s13], [sflag:$0x3], $0xC80, $0x38;
	[tilespmem:$0x12C00] =	vst v63  }
0xea: {  	_ =	swait.ge [sflag:s6], $0xC80  }
0xeb: {  	[sflag:s6] =	ssyncset.done $0x0  }
0xec: {  	s31 =	sadd.s32 $0x960, s21;
	[sflag:s6] =	ssyncadd.s32 $0xFFFFF380  }
0xed: {  	[hbm4b:s31+s2] =	stream.linear.scatter [tilespmem:s14], [sflag:$0x3], $0xC80, $0x38;
	[tilespmem:$0x12C00] =	vst v63  }
0xee: {  	s16 =	sadd.s32 $0x1, s16;
	_ =	swait.ge [sflag:s6], $0xC80  }
0xef: {  	p0 =	sne.s32 s16, s5;
	[sflag:s6] =	ssyncset.done $0x0  }
.Ltmp1:
0xf0: {  	s17 =	sadd.s32 $0xAF0, s21;
	[sflag:s6] =	ssyncadd.s32 $0xFFFFF380;
	(pc) =	sbr.rel @p0 .LBB2_1-.Ltmp1, $4  }
0xf1: {  	[hbm4b:s17+s2] =	stream.linear.scatter [tilespmem:s15], [sflag:$0x3], $0xC80, $0x38;
	[tilespmem:$0x12C00] =	vst v63  }
0xf2: {  	_ =	swait.ge [sflag:s6], $0xC80  }
0xf3: {  	[sflag:s6] =	ssyncset.done $0x0  }
0xf4: {  	[sflag:s6] =	ssyncadd.s32 $0xFFFFF380  }
0xf5: {  	_ =	sfence.sel $0x180000  }
0xf6: {  	[bflag:$0x0] =	sbarrier.arrive $0xFFFF  }
0xf7: {  	p0 =	sne.s32 s0, $0x0;
	_ =	strace $0x90000047  }
0xf8: {  	s0 =	sadd.s32 @!p0 $0x100000, s1;
	[bflag:$0x2] =	sbarrier.arrive $0xFFFF  }
0xf9: {  	[sflag:s0] =	ssyncadd.tile.s32 @!p0 $0x1;
	_ =	shalt  }
.Lfunc_end2:
_tile_overlayer_lowered:
.L_overlay_start_2:
0xfa: {  	(tag) =	ssettag $0x2  }
0xfb: {  	s0 =	rddreg [dreg:$0x0];
	s2 =	stileid.u32  }
0xfc: {  	s1 =	rddreg [dreg:$0x1];
	p0 =	sne.s32 s2, $0x0  }
0xfd: {  	s3 =	rddreg [dreg:$0x2];
	[bflag:$0x3] =	sbarrier.arrive $0xFFFF;
	s2 =	simm.s32 @!p0 $0x1C03  }
0xfe: {  	[timem:s3], [sflag:s2] =	dma.local @!p0 [hbm:s0], s1  }
0xff: {  	s0 =	simm.s32 @!p0 $0x3  }
0x100: {  	_ =	swait.ge @!p0 [sflag:s0], s1  }
0x101: {  	s1 =	ssub.s32 @!p0 $0x0, s1;
	[sflag:s0] =	ssyncset.done @!p0 $0x0  }
0x102: {  	[sflag:s0] =	ssyncadd.s32 @!p0 s1  }
0x103: {  	[bflag:$0x3] =	sbarrier.arrive $0xFFFF  }
0x104: {  	_ =	shalt  }

// kernel: sparse-core-data-format-call.cloned.1.call-start
scs
called_computation_lowered:
.L_overlay_start_0:
0x0: {  	s2 =	sld [smem:$0x3FD9]  }
0x1: {  	s3 =	sld [smem:$0x3FFE];
	_ =	sdelay $0x1  }
0x2: {  	s1 =	srdreg.scid  }
0x3: {  	s0 =	sand.u32 $0x1, s1  }
0x4: {  	s18 =	sshll.u32 s0, $0xA;
	s2 =	sadd.s32 s3, s2  }
0x5: {  	s2 =	sadd.s32 s2, s18  }
0x6: {  	[smem:$0x3FC6] =	sst s2  }
0x7: {  	_ = 	snop  }
0x8: {  	s2 =	sld [smem:$0x3FD0];
	(tm) =	ssettm $0x1  }
0x9: {  	s19 =	sld [smem:$0x3FFB];
	_ =	sdelay $0x3  }
0xa: {  	_ =	strace s19  }
0xb: {  	s3 =	sld [smem:$0x3FFC];
	_ =	sdelay $0x3  }
0xc: {  	_ =	strace s3  }
0xd: {  	s3 =	sld [smem:$0x3FFD];
	_ =	sdelay $0x3  }
0xe: {  	_ =	strace s3  }
0xf: {  	_ =	strace $0x8FFFFFFF  }
0x10: {  	s20 =	sld [smem:$0x3FDB];
	_ =	sdelay $0x1  }
0x11: {  	s4 =	simm.s32 $_scs_section_size  }
0x12: {  	s5 =	simm.s32 $_size__tile_overlayer_lowered;
	s6 =	simm.s32 $_tile_overlayer_lowered  }
0x13: {  	s23 =	simm.s32 $0x1BFF;
	s22 =	sshll.u32 s6, $0x1;
	s3 =	sadd.s32 s4, s20  }
0x14: {  	s7 =	simm.s32 $0x0;
	s21 =	sshll.u32 s5, $0x1;
	s5 =	sadd.s32 s22, s3  }
0x15: {  	[timem:s7], [sflag:s23] =	dma.local [hbm:s5], s21  }
0x16: {  	_ =	swait.ge [sflag:s23], s21  }
0x17: {  	s4 =	ssub.s32 $0x0, s21;
	[sflag:s23] =	ssyncset.done $0x0  }
0x18: {  	[sflag:s23] =	ssyncadd.s32 s4;
	_ =	sdelay $0x1  }
0x19: {  	s24 =	simm.s32 $0x1B8B  }
0x1a: {  	_ =	swait.ge [sflag:s24], $0x1  }
0x1b: {  	[sflag:s24] =	ssyncset.done $0x0  }
0x1c: {  	s26 =	simm.s32 $0x1B8E;
	s25 =	sld [smem:$0x3FFE];
	[sflag:s24] =	ssyncadd.s32 $0xFFFFFFFF  }
0x1d: {  	s27 =	simm.s32 $execute0_lowered;
	[smem:$0x3FD2] =	sst s26  }
0x1e: {  	s5 =	sshll.u32 s27, $0x1;
	_ =	strace $0x80000049;
	[dreg:$0x1] =	wrdreg $0xFFFFFFFF  }
0x1f: {  	s28 =	simm.s32 $_size_execute0_lowered;
	s3 =	sadd.s32 s3, s5;
	[dreg:$0x0] =	wrdreg $0x0  }
0x20: {  	s5 =	sshll.u32 s28, $0x1;
	[dreg:$0x2] =	wrdreg s3  }
0x21: {  	[dreg:$0x3] =	wrdreg s5  }
0x22: {  	[dreg:$0x4] =	wrdreg $0xC0  }
0x23: {  	_ =	task [dreg:s7], $0x5FFFF  }
0x24: {  	[dreg:$0x1] =	wrdreg $0xFFFFFFFF  }
0x25: {  	[dreg:$0x0] =	wrdreg $0x60  }
0x26: {  	[dreg:$0x2] =	wrdreg s25  }
0x27: {  	[dreg:$0x3] =	wrdreg s2  }
0x28: {  	[dreg:$0x4] =	wrdreg $0x9  }
0x29: {  	_ =	task.clear_ibuf [dreg:s7], $0x5FFFF;
	_ =	strace $0x90000049  }
0x2a: {  	s29 =	simm.s32 $0x9;
	_ =	strace $0x8000004B  }
0x2b: {  	_ =	swait.ge [sflag:s29], $0x1  }
0x2c: {  	[sflag:s29] =	ssyncadd.s32 $0xFFFFFFFF  }
0x2d: {  	_ =	strace $0x9000004B  }
0x2e: {  	_ =	sfence  }
0x2f: {  	s30 =	sld [smem:$0x0];
	_ =	sdelay $0x2  }
0x30: {  	s31 =	sshll.u32 s1, $0xD;
	s1 =	sshrl.u32 s1, $0x2  }
0x31: {  	s3 =	sand.u32 $0x4000, s31;
	s1 =	sadd.s32 s1, s30  }
0x32: {  	s0 =	sor.u32 s3, s0;
	s1 =	sshll.u32 s1, $0x11  }
0x33: {  	s0 =	sor.u32 s1, s0  }
0x34: {  	s0 =	sadd.s32 $0x8F2B, s0  }
0x35: {  	[sflag:s0] =	ssyncadd.remote.s32 $0x1  }
0x36: {  	_ =	sfence.sel $0xFFFF  }
0x37: {  	[dreg:$0x0] =	wrdreg $0xFFFFFFFF;
	(pc) =	sbr.abs _section_cstart, $3  }
0x38: {  	[dreg:$0x1] =	wrdreg $0xFFFFFFFF  }
0x39: {  	_ =	task.clear_ibuf [dreg:s7], $0x2FFFF;
	_ =	strace $0x9FFFFFFF  }
0x3a: {  	(tm) =	ssettm $0x7FFFFFFF  }
0x3b: {  	_ =	shalt  }
tec
execute0_lowered:
.L_overlay_start_1:
0x0: {  	(tag) =	ssettag $0x1  }
0x1: {  	s0 =	srdreg.scid  }
0x2: {  	s1 =	sshll.u32 s0, $0x4  }
0x3: {  	s0 =	stileid.u32;
	s1 =	sand.u32 $0x10, s1  }
0x4: {  	s1 =	sor.u32 s0, s1  }
0x5: {  	s6 =	rddreg [dreg:$0x0];
	s4 =	simm.s32 $0x1;
	s2 =	sshll.u32 s1, $0x7  }
0x6: {  	s7 =	simm.s32 $0x2;
	s12 =	simm.s32 $0x0;
	s1 =	ssub.s32 $0x4000, s2  }
0x7: {  	s8 =	simm.s32 $0x20000;
	s13 =	simm.s32 $0x0;
	s3 =	sand.u32 $0xF80, s1  }
0x8: {  	s9 =	simm.s32 $0x0;
	s5 =	sshrl.u32 s1, $0xC;
	p0 =	sne.s32 s3, $0x0  }
.Ltmp0:
0x9: {  	s1 =	rddreg [dreg:$0x2];
	s4 =	simm.s32 @!p0 $0x0;
	(pc) =	sbr.rel .LBB1_1-.Ltmp0, $4  }
0xa: {  	s11 =	simm.s32 $0x0;
	s3 =	rddreg [dreg:$0x1];
	s5 =	sadd.s32 s4, s5  }
0xb: {  	_ =	strace $0x8000004A;
	s4 =	simm.s32 $0x1;
	s5 =	smul.u32 $0x32, s5  }
0xc: {  	s6 =	sadd.s32 $0x800, s6;
	s10 =	smov.u32 s2;
	[sflag:s4] =	ssyncpa.u1 $0x0  }
0xd: {  	p0 =	por $0x0, $0x0;
	[sflag:s7] =	ssyncpa.u1 $0x0;
	s7 =	sor.u32 $0x1, s5  }
.LBB1_4:
0xe: {  	s16 =	sshll.u32 s13, $0x3;
	s17 =	sand.u32 $0x78, s13  }
0xf: {  	s30 =	sand.u32 $0x1F800, s13;
	s12 =	sshll.u32 s12, $0x11;
	s16 =	sand.u32 $0x3C00, s16  }
0x10: {  	[tilespmem:s15+$0x810 ss:$0x81] =	vst.msk $0xffff, v2;
	s31 =	sand.u32 $0x7, s13;
	s16 =	sor.u32 s17, s16;
	s17 =	sadd.s32 s3, s30  }
0x11: {  	[tilespmem:s15+$0x1020 ss:$0x81] =	vst.msk $0xffff, v0;
	s13 =	sshll.u32 s31, $0x12;
	s12 =	sadd.s32 s12, s17;
	s16 =	sshrl.u32 s16, $0x3  }
0x12: {  	[tilespmem:s15+$0x0 ss:$0x81] =	vst.msk $0xffff, v1;
	s13 =	sor.u32 $0x400, s13;
	s12 =	sadd.s32 s16, s12  }
0x13: {  	[hbm4b:s12+s13] =	stream.strided.scatter [tilespmem:s14], [sflag:$0x2], $0x2000, s8, s13, $0x20;
	[tilespmem:$0x8080] =	vst v63  }
.LBB1_5:
0x14: {  	s14 =	sadd.s32 $0x1, s9  }
0x15: {  	s12 =	sadd.s32 $0x1000, s10;
	s16 =	smov.u32 s10;
	p2 =	sgt.s32 s14, $0x31  }
0x16: {  	s16 =	smov.u32 @p2 s12  }
0x17: {  	s14 =	simm.s32 @p2 $0x0;
	p2 =	sgt.s32 s16, $0x3FFF  }
0x18: {  	s16 =	smov.u32 @p2 s2;
	p2 =	sne.s32 s11, s7  }
.Ltmp1:
0x19: {  	p1 =	slt.u32 s11, $0x2;
	(pc) =	sbr.rel @!p2 .LBB1_6-.Ltmp1, $4  }
0x1a: {  	s15 =	simm.s32 @!p1 $0x2  }
0x1b: {  	s13 =	smov.u32 s10;
	p0 =	por !p0, !p0;
	_ =	swait.ge @!p1 [sflag:s15], $0x2000  }
0x1c: {  	s12 =	smov.u32 s9;
	[sflag:s15] =	ssyncset.done @!p1 $0x0;
	s9 =	smov.u32 s14  }
0x1d: {  	s11 =	sadd.s32 $0x1, s11;
	[sflag:s15] =	ssyncadd.s32 @!p1 $0xFFFFE000;
	s10 =	smov.u32 s16  }
.LBB1_1:
0x1e: {  	p1 =	sge.u32 s11, s5  }
0x1f: {  	s14 =	sand.u32 @!p1 $0x1FFFFFF, s9  }
0x20: {  	s15 =	smulhi.u32 @!p1 $0x4924925, s14;
	_ =	sdelay $0x1  }
0x21: {  	s15 =	smul.u32 @!p1 $0x38, s15  }
0x22: {  	s16 =	sxor.u32 @!p1 $0xFFFFFFFF, s11;
	s17 =	smul.u32 @!p1 $0x380, s10  }
0x23: {  	s31 =	sadd.s32 $0xFFFFFFFF, s11;
	s16 =	sshll.u32 @!p1 s16, $0xD;
	s14 =	ssub.s32 @!p1 s14, s15  }
0x24: {  	s15 =	sand.u32 @!p1 $0x2000, s16;
	s16 =	sadd.s32 @!p1 s6, s17;
	s14 =	sshll.u32 @!p1 s14, $0x4  }
0x25: {  	s17 =	simm.s32 @!p1 $0x1C00;
	s14 =	sadd.s32 @!p1 s14, s16;
	s16 =	simm.s32 @!p1 $0x40  }
0x26: {  	[tilespmem:s15], [sflag:$0x1] =	stream.strided.gather @!p1 [hbm4b:s14+s16], $0x2000, s17, s16, $0x38;
	[tilespmem:$0x8080] =	vst v63  }
0x27: {  	p1 =	sge.u32 s31, s5  }
.Ltmp2:
0x28: {  	_ = 	snop;
	(pc) =	sbr.rel @p1 .LBB1_5-.Ltmp2, $1  }
0x29: {  	_ =	sdelay $0x3  }
0x2a: {  	s14 =	simm.s32 $0x1  }
0x2b: {  	_ =	swait.ge [sflag:s4], $0x2000;
	s14 =	simm.s32 @!p0 $0x0  }
0x2c: {  	[sflag:s4] =	ssyncset.done $0x0;
	s15 =	sshll.u32 s14, $0xD  }
0x2d: {  	[sflag:s4] =	ssyncadd.s32 $0xFFFFE000;
	s18 =	sor.u32 $0x20, s15  }
0x2e: {  	s14 =	smul.u32 $0x8100, s14;
	v3 =	vld [tilespmem:s18+$0x10]  }
0x2f: {  	s30 =	sand.u32 $0x1, s11;
	v2 =	vld [tilespmem:s18+$0xFFFFFFF0]  }
0x30: {  	s15 =	smul.u32 $0x8100, s30;
	s14 =	sshrl.u32 s14, $0x2;
	v0 =	vld [tilespmem:s18+$0x0]  }
0x31: {  	v1 =	vld [tilespmem:s18+$0xFFFFFFE0];
	s16 =	sor.u32 $0x4000, s14  }
0x32: {  	s31 =	sshrl.u32 s15, $0x2;
	s15 =	sadd.s32 $0x0, s16  }
0x33: {  	s17 =	simm.s32 $0x4;
	s18 =	sadd.s32 $0x40, s18;
	s14 =	sor.u32 $0x4000, s31;
	[tilespmem:s15+$0x1830 ss:$0x81] =	vst.msk $0xffff, v3  }
.LBB1_3:
0x34: {  	v3 =	vld [tilespmem:s18+$0x10];
	p1 =	sne.s32 s17, $0x1FC;
	[tilespmem:s15+$0x810 ss:$0x81] =	vst.msk $0xffff, v2;
	s19 =	smov.u32 s17;
	s17 =	sadd.s32 $0x4, s17  }
.Ltmp3:
0x35: {  	v2 =	vld [tilespmem:s18+$0xFFFFFFF0];
	[tilespmem:s15+$0x1020 ss:$0x81] =	vst.msk $0xffff, v0;
	(pc) =	sbr.rel @p1 .LBB1_3-.Ltmp3, $4  }
0x36: {  	v0 =	vld [tilespmem:s18+$0x0];
	[tilespmem:s15+$0x0 ss:$0x81] =	vst.msk $0xffff, v1  }
0x37: {  	s15 =	sshra.s32 s19, $0x2;
	v1 =	vld [tilespmem:s18+$0xFFFFFFE0]  }
0x38: {  	s15 =	sadd.s32 s15, s16  }
0x39: {  	s18 =	sadd.s32 $0x40, s18;
	[tilespmem:s15+$0x1830 ss:$0x81] =	vst.msk $0xffff, v3  }
.Ltmp4:
0x3a: {  	_ = 	snop;
	(pc) =	sbr.rel .LBB1_4-.Ltmp4, $1  }
0x3b: {  	_ =	sdelay $0x3  }
.LBB1_6:
0x3c: {  	_ =	sfence.sel $0x180000  }
0x3d: {  	s2 =	simm.s32 $0x1;
	[bflag:$0x0] =	sbarrier.arrive $0xFFFF  }
0x3e: {  	s31 =	simm.s32 $0x2;
	[sflag:s2] =	ssyncpa.u1 $0x1  }
0x3f: {  	[sflag:s31] =	ssyncpa.u1 $0x1  }
0x40: {  	p0 =	sne.s32 s0, $0x0;
	_ =	strace $0x9000004A  }
0x41: {  	s0 =	sadd.s32 @!p0 $0x100000, s1;
	[bflag:$0x2] =	sbarrier.arrive $0xFFFF  }
0x42: {  	[sflag:s0] =	ssyncadd.tile.s32 @!p0 $0x1;
	_ =	shalt  }
.Lfunc_end1:
_tile_overlayer_lowered:
.L_overlay_start_2:
0x43: {  	(tag) =	ssettag $0x2  }
0x44: {  	s0 =	rddreg [dreg:$0x0];
	s2 =	stileid.u32  }
0x45: {  	s1 =	rddreg [dreg:$0x1];
	p0 =	sne.s32 s2, $0x0  }
0x46: {  	s3 =	rddreg [dreg:$0x2];
	[bflag:$0x3] =	sbarrier.arrive $0xFFFF;
	s2 =	simm.s32 @!p0 $0x1C01  }
0x47: {  	[timem:s3], [sflag:s2] =	dma.local @!p0 [hbm:s0], s1  }
0x48: {  	s0 =	simm.s32 @!p0 $0x1  }
0x49: {  	_ =	swait.ge @!p0 [sflag:s0], s1  }
0x4a: {  	s1 =	ssub.s32 @!p0 $0x0, s1;
	[sflag:s0] =	ssyncset.done @!p0 $0x0  }
0x4b: {  	[sflag:s0] =	ssyncadd.s32 @!p0 s1  }
0x4c: {  	[bflag:$0x3] =	sbarrier.arrive $0xFFFF  }
0x4d: {  	_ =	shalt  }

</sc_bundles>
